<compile_context>
chip_gen: v7x
topology: tpu7x:2x2x1
jax: 0.10.2.dev20260603
libtpu: 0.0.44.dev20260713+nightly
codegen_flags: <defaults>
</compile_context>

<pallas_src>
import functools

import jax
import jax.numpy as jnp
from jax import lax
from jax.experimental import pallas as pl
from jax.experimental.pallas import tpu as pltpu
from jax.experimental.pallas import tpu_sc as plsc

NC = 2
NS = 16
NW = NC * NS
CH = 128
NP = 10240
BM = 1024


def _fill(buf, n16, value):
    v = jnp.full((16,), value, jnp.float32)

    def body(i, _):
        buf[pl.ds(i * 16, 16)] = v
        return 0

    lax.fori_loop(0, n16, body, 0)


def _make_deg_kernel(ep):
    ew = ep // NW
    steps = ew // CH
    rt = NP // NS
    mesh = plsc.VectorSubcoreMesh(core_axis_name="c", subcore_axis_name="s")

    @functools.partial(
        pl.kernel,
        out_type=jax.ShapeDtypeStruct((NC * NP,), jnp.float32),
        mesh=mesh,
        scratch_types=[
            pltpu.VMEM((CH,), jnp.int32),
            pltpu.VMEM((CH,), jnp.float32),
            pltpu.VMEM((rt,), jnp.float32),
            pltpu.VMEM_SHARED((NP,), jnp.float32),
        ],
    )
    def deg_kernel(dst_hbm, out_hbm, didx, ones, zbuf, deg_sh):
        c = lax.axis_index("c")
        s = lax.axis_index("s")
        w = c * NS + s
        _fill(ones, CH // 16, 1.0)
        _fill(zbuf, rt // 16, 0.0)
        r0 = s * rt
        pltpu.sync_copy(zbuf, deg_sh.at[pl.ds(r0, rt)])
        plsc.subcore_barrier()

        def step(j, _):
            off = w * ew + j * CH
            pltpu.sync_copy(dst_hbm.at[pl.ds(off, CH)], didx)
            pltpu.sync_copy(ones, deg_sh.at[didx], add=True)
            return 0

        lax.fori_loop(0, steps, step, 0)
        plsc.subcore_barrier()
        pltpu.sync_copy(deg_sh.at[pl.ds(r0, rt)], out_hbm.at[pl.ds(c * NP + r0, rt)])

    return deg_kernel


def _make_agg_kernel(ep, d):
    ew = ep // NW
    steps = ew // CH
    rt = NP // NS
    mesh = plsc.VectorSubcoreMesh(core_axis_name="c", subcore_axis_name="s")

    @functools.partial(
        pl.kernel,
        out_type=jax.ShapeDtypeStruct((NC * NP, d), jnp.float32),
        mesh=mesh,
        scratch_types=[
            pltpu.VMEM((CH,), jnp.int32),
            pltpu.VMEM((CH,), jnp.int32),
            pltpu.VMEM((CH, d), jnp.float32),
            pltpu.VMEM((16, d), jnp.float32),
            pltpu.VMEM_SHARED((NP, d), jnp.float32),
            pltpu.SemaphoreType.DMA,
        ],
        compiler_params=pltpu.CompilerParams(use_tc_tiling_on_sc=False),
    )
    def agg(src_hbm, dst_hbm, y_hbm, out_hbm, sidx, didx, rows, zbuf, acc_sh, sem):
        c = lax.axis_index("c")
        s = lax.axis_index("s")
        w = c * NS + s
        zv = jnp.zeros((16,), jnp.float32)

        def zrow(i, _):
            for k in range(d // 16):
                zbuf[i, pl.ds(k * 16, 16)] = zv
            return 0

        lax.fori_loop(0, 16, zrow, 0)
        r0 = s * rt

        def zstep(t, _):
            pltpu.sync_copy(zbuf, acc_sh.at[pl.ds(r0 + t * 16, 16)])
            return 0

        lax.fori_loop(0, rt // 16, zstep, 0)
        plsc.subcore_barrier()

        def step(j, _):
            off = w * ew + j * CH
            pltpu.sync_copy(src_hbm.at[pl.ds(off, CH)], sidx)
            pltpu.sync_copy(dst_hbm.at[pl.ds(off, CH)], didx)
            pltpu.async_copy(y_hbm.at[sidx], rows, sem).wait()
            pltpu.sync_copy(rows, acc_sh.at[didx], add=True)
            return 0

        lax.fori_loop(0, steps, step, 0)
        plsc.subcore_barrier()
        pltpu.sync_copy(acc_sh.at[pl.ds(r0, rt)], out_hbm.at[pl.ds(c * NP + r0, rt)])

    return agg


def _tc_scale_matmul(xp, w1, d0, d1):
    din, dh = w1.shape
    g = NP // BM

    def body(x_ref, w_ref, d0_ref, d1_ref, y_ref, dv_ref):
        deg = d0_ref[...] + d1_ref[...] + 1.0
        dv = lax.rsqrt(deg)
        dv_ref[...] = dv
        y_ref[...] = jnp.dot(x_ref[...], w_ref[...], preferred_element_type=jnp.float32) * dv

    return pl.pallas_call(
        body,
        grid=(g,),
        in_specs=[
            pl.BlockSpec((BM, din), lambda i: (i, 0)),
            pl.BlockSpec((din, dh), lambda i: (0, 0)),
            pl.BlockSpec((BM, 1), lambda i: (i, 0)),
            pl.BlockSpec((BM, 1), lambda i: (i, 0)),
        ],
        out_specs=[
            pl.BlockSpec((BM, dh), lambda i: (i, 0)),
            pl.BlockSpec((BM, 1), lambda i: (i, 0)),
        ],
        out_shape=[
            jax.ShapeDtypeStruct((NP, dh), jnp.float32),
            jax.ShapeDtypeStruct((NP, 1), jnp.float32),
        ],
    )(xp, w1, d0, d1)


def _tc_mid(acc, y1, dv, b1, w2):
    dh, do = w2.shape
    g = NP // BM

    def body(a0_ref, a1_ref, y1_ref, dv_ref, b_ref, w_ref, y2_ref):
        dv = dv_ref[...]
        h = (a0_ref[...] + a1_ref[...] + y1_ref[...]) * dv + b_ref[...]
        h = jnp.maximum(h, 0.0)
        y2_ref[...] = jnp.dot(h, w_ref[...], preferred_element_type=jnp.float32) * dv

    return pl.pallas_call(
        body,
        grid=(g,),
        in_specs=[
            pl.BlockSpec((BM, dh), lambda i: (i, 0)),
            pl.BlockSpec((BM, dh), lambda i: (i + NP // BM, 0)),
            pl.BlockSpec((BM, dh), lambda i: (i, 0)),
            pl.BlockSpec((BM, 1), lambda i: (i, 0)),
            pl.BlockSpec((1, dh), lambda i: (0, 0)),
            pl.BlockSpec((dh, do), lambda i: (0, 0)),
        ],
        out_specs=pl.BlockSpec((BM, do), lambda i: (i, 0)),
        out_shape=jax.ShapeDtypeStruct((NP, do), jnp.float32),
    )(acc, acc, y1, dv, b1, w2)


def _tc_final(acc, y2, dv, b2):
    do = y2.shape[1]
    g = NP // BM

    def body(a0_ref, a1_ref, y2_ref, dv_ref, b_ref, o_ref):
        o_ref[...] = (a0_ref[...] + a1_ref[...] + y2_ref[...]) * dv_ref[...] + b_ref[...]

    return pl.pallas_call(
        body,
        grid=(g,),
        in_specs=[
            pl.BlockSpec((BM, do), lambda i: (i, 0)),
            pl.BlockSpec((BM, do), lambda i: (i + NP // BM, 0)),
            pl.BlockSpec((BM, do), lambda i: (i, 0)),
            pl.BlockSpec((BM, 1), lambda i: (i, 0)),
            pl.BlockSpec((1, do), lambda i: (0, 0)),
        ],
        out_specs=pl.BlockSpec((BM, do), lambda i: (i, 0)),
        out_shape=jax.ShapeDtypeStruct((NP, do), jnp.float32),
    )(acc, acc, y2, dv, b2)


@jax.jit
def kernel(doc_embeds, edge_index, W1, b1, W2, b2):
    n, din = doc_embeds.shape
    dh = W1.shape[1]
    do = W2.shape[1]
    e = edge_index.shape[1]
    chunk = NW * CH
    ep = ((e + chunk - 1) // chunk) * chunk

    src = edge_index[0].astype(jnp.int32)
    dst = edge_index[1].astype(jnp.int32)
    srcp = jnp.concatenate([src, jnp.zeros((ep - e,), jnp.int32)])
    dstp = jnp.concatenate([dst, jnp.full((ep - e,), n, jnp.int32)])
    xp = jnp.zeros((NP, din), jnp.float32).at[:n].set(doc_embeds)

    deg = _make_deg_kernel(ep)(dstp)
    d0 = deg[:NP].reshape(NP, 1)
    d1 = deg[NP:].reshape(NP, 1)

    y1, dv = _tc_scale_matmul(xp, W1, d0, d1)
    acc1 = _make_agg_kernel(ep, dh)(srcp, dstp, y1)
    y2 = _tc_mid(acc1, y1, dv, b1.reshape(1, dh), W2)
    acc2 = _make_agg_kernel(ep, do)(srcp, dstp, y2)
    out = _tc_final(acc2, y2, dv, b2.reshape(1, do))
    return out[:n]

# --- scband reference (transcript-rebuilt; emitter-appended) ---
"""Pipeline reference for scband-document-encoder-gae-38448547234392 (READ-ONLY COPY).

The authoritative reference and input builder live on the scoring server;
editing this copy changes nothing except your own understanding.
"""

import jax, jax.numpy as jnp
import numpy as np

N = 10000
E = 320000
D_IN = 128
D_OUT = 64  # out_channels; conv1 outputs 2*D_OUT


def setup_inputs(seed: int = 0) -> dict:
    key = jax.random.key(seed)
    k1, k2, k3, k4 = jax.random.split(key, 4)
    doc_embeds = jax.random.normal(k1, (N, D_IN), dtype=jnp.float32)
    edge_index = jax.random.randint(k2, (2, E), 0, N)
    W1 = jax.random.normal(k3, (D_IN, 2 * D_OUT), dtype=jnp.float32) * (1.0 / np.sqrt(D_IN))
    b1 = jnp.zeros((2 * D_OUT,), dtype=jnp.float32)
    W2 = jax.random.normal(k4, (2 * D_OUT, D_OUT), dtype=jnp.float32) * (1.0 / np.sqrt(2 * D_OUT))
    b2 = jnp.zeros((D_OUT,), dtype=jnp.float32)
    return {"doc_embeds": doc_embeds, "edge_index": edge_index, "W1": W1, "b1": b1, "W2": W2, "b2": b2}


def gcn_conv(x, edge_index, W, b):
    # Faithful GCNConv: add self-loops, symmetric normalization, X @ W, scatter-add aggregate, bias.
    n = x.shape[0]
    src = edge_index[0]
    dst = edge_index[1]
    loop = jnp.arange(n, dtype=src.dtype)
    src = jnp.concatenate([src, loop])
    dst = jnp.concatenate([dst, loop])
    deg = jnp.zeros((n,), dtype=x.dtype).at[dst].add(1.0)
    deg_inv_sqrt = jnp.where(deg > 0, jax.lax.rsqrt(jnp.maximum(deg, 1e-12)), 0.0)
    norm = deg_inv_sqrt[src] * deg_inv_sqrt[dst]
    xw = x @ W
    msg = xw[src] * norm[:, None]
    out = jnp.zeros((n, W.shape[1]), dtype=x.dtype).at[dst].add(msg)
    return out + b


def reference(doc_embeds, edge_index, W1, b1, W2, b2):
    x = jax.nn.relu(gcn_conv(doc_embeds, edge_index, W1, b1))
    x = gcn_conv(x, edge_index, W2, b2)
    return x

if __name__ == "__main__":
    import jax
    _d = setup_inputs()
    print(jax.jit(kernel)(*tuple(_d.values())))

</pallas_src>

<mosaic_0001>
#map = affine_map<(d0, d1) -> (0)>
#map1 = affine_map<(d0, d1) -> (0, 0)>
module attributes {stable_mosaic.version = 14 : i64} {
  func.func @agg(%arg0: i32, %arg1: i32, %arg2: memref<323584xi32, #tpu.memory_space<hbm>>, %arg3: memref<323584xi32, #tpu.memory_space<hbm>>, %arg4: memref<10240x128xf32, #tpu.memory_space<hbm>>, %arg5: memref<20480x128xf32, #tpu.memory_space<hbm>>, %arg6: memref<128xi32, #tpu.memory_space<vmem>>, %arg7: memref<128xi32, #tpu.memory_space<vmem>>, %arg8: memref<128x128xf32, #tpu.memory_space<vmem>>, %arg9: memref<16x128xf32, #tpu.memory_space<vmem>>, %arg10: memref<10240x128xf32, #tpu.memory_space<vmem_shared>>, %arg11: memref<!tpu.dma_semaphore, #tpu.memory_space<semaphore_mem>>) attributes {dimension_semantics = [#tpu.dimension_semantics<core_parallel>, #tpu.dimension_semantics<subcore_parallel>], iteration_bounds = array<i64: 2, 16>, scalar_prefetch = 0 : i64, scratch_operands = 6 : i64, tpu.core_type = #tpu.core_type<sc_vector_subcore>, window_params = [{transform_indices = #map}, {transform_indices = #map}, {transform_indices = #map1}, {transform_indices = #map1}]} {
    %mul3A = arith.constant 16 : i32
    %mul3A_0 = arith.muli %arg0, %mul3A : i32
    %add3A = arith.addi %mul3A_0, %arg1 : i32
    %broadcast_in_dim3A = arith.constant 0.000000e+00 : f32
    %broadcast_in_dim3A_1 = vector.broadcast %broadcast_in_dim3A : f32 to vector<16xf32>
    %scan3A = arith.constant 0 : i32
    %scan3A_2 = arith.constant 0 : i32
    %scan3A_3 = arith.constant 16 : i32
    %scan3A_4 = arith.addi %scan3A_2, %scan3A_3 : i32
    %scan3A_5 = arith.constant 1 : i32
    %scan3A_6 = scf.for %scan3A_28 = %scan3A_2 to %scan3A_4 step %scan3A_5 iter_args(%scan3A_29 = %scan3A) -> (i32)  : i32 {
      %swap3A = arith.index_cast %scan3A_28 : i32 to index
      %swap3A_30 = arith.constant 0 : index
      %swap3A_31 = tpu.vector_load %arg9[%swap3A, %swap3A_30] {strides = array<i32>} : memref<16x128xf32, #tpu.memory_space<vmem>>, vector<1x16xf32>,
      %swap3A_32 = vector.shape_cast %swap3A_31 : vector<1x16xf32> to vector<16xf32>
      %swap3A_33 = vector.shape_cast %broadcast_in_dim3A_1 : vector<16xf32> to vector<1x16xf32>
      tpu.vector_store %arg9[%swap3A, %swap3A_30], %swap3A_33 {strides = array<i32>} : memref<16x128xf32, #tpu.memory_space<vmem>>, vector<1x16xf32>,
      %swap3A_34 = arith.index_cast %scan3A_28 : i32 to index
      %swap3A_35 = arith.constant 16 : index
      %swap3A_36 = tpu.vector_load %arg9[%swap3A_34, %swap3A_35] {strides = array<i32>} : memref<16x128xf32, #tpu.memory_space<vmem>>, vector<1x16xf32>,
      %swap3A_37 = vector.shape_cast %swap3A_36 : vector<1x16xf32> to vector<16xf32>
      %swap3A_38 = vector.shape_cast %broadcast_in_dim3A_1 : vector<16xf32> to vector<1x16xf32>
      tpu.vector_store %arg9[%swap3A_34, %swap3A_35], %swap3A_38 {strides = array<i32>} : memref<16x128xf32, #tpu.memory_space<vmem>>, vector<1x16xf32>,
      %swap3A_39 = arith.index_cast %scan3A_28 : i32 to index
      %swap3A_40 = arith.constant 32 : index
      %swap3A_41 = tpu.vector_load %arg9[%swap3A_39, %swap3A_40] {strides = array<i32>} : memref<16x128xf32, #tpu.memory_space<vmem>>, vector<1x16xf32>,
      %swap3A_42 = vector.shape_cast %swap3A_41 : vector<1x16xf32> to vector<16xf32>
      %swap3A_43 = vector.shape_cast %broadcast_in_dim3A_1 : vector<16xf32> to vector<1x16xf32>
      tpu.vector_store %arg9[%swap3A_39, %swap3A_40], %swap3A_43 {strides = array<i32>} : memref<16x128xf32, #tpu.memory_space<vmem>>, vector<1x16xf32>,
      %swap3A_44 = arith.index_cast %scan3A_28 : i32 to index
      %swap3A_45 = arith.constant 48 : index
      %swap3A_46 = tpu.vector_load %arg9[%swap3A_44, %swap3A_45] {strides = array<i32>} : memref<16x128xf32, #tpu.memory_space<vmem>>, vector<1x16xf32>,
      %swap3A_47 = vector.shape_cast %swap3A_46 : vector<1x16xf32> to vector<16xf32>
      %swap3A_48 = vector.shape_cast %broadcast_in_dim3A_1 : vector<16xf32> to vector<1x16xf32>
      tpu.vector_store %arg9[%swap3A_44, %swap3A_45], %swap3A_48 {strides = array<i32>} : memref<16x128xf32, #tpu.memory_space<vmem>>, vector<1x16xf32>,
      %swap3A_49 = arith.index_cast %scan3A_28 : i32 to index
      %swap3A_50 = arith.constant 64 : index
      %swap3A_51 = tpu.vector_load %arg9[%swap3A_49, %swap3A_50] {strides = array<i32>} : memref<16x128xf32, #tpu.memory_space<vmem>>, vector<1x16xf32>,
      %swap3A_52 = vector.shape_cast %swap3A_51 : vector<1x16xf32> to vector<16xf32>
      %swap3A_53 = vector.shape_cast %broadcast_in_dim3A_1 : vector<16xf32> to vector<1x16xf32>
      tpu.vector_store %arg9[%swap3A_49, %swap3A_50], %swap3A_53 {strides = array<i32>} : memref<16x128xf32, #tpu.memory_space<vmem>>, vector<1x16xf32>,
      %swap3A_54 = arith.index_cast %scan3A_28 : i32 to index
      %swap3A_55 = arith.constant 80 : index
      %swap3A_56 = tpu.vector_load %arg9[%swap3A_54, %swap3A_55] {strides = array<i32>} : memref<16x128xf32, #tpu.memory_space<vmem>>, vector<1x16xf32>,
      %swap3A_57 = vector.shape_cast %swap3A_56 : vector<1x16xf32> to vector<16xf32>
      %swap3A_58 = vector.shape_cast %broadcast_in_dim3A_1 : vector<16xf32> to vector<1x16xf32>
      tpu.vector_store %arg9[%swap3A_54, %swap3A_55], %swap3A_58 {strides = array<i32>} : memref<16x128xf32, #tpu.memory_space<vmem>>, vector<1x16xf32>,
      %swap3A_59 = arith.index_cast %scan3A_28 : i32 to index
      %swap3A_60 = arith.constant 96 : index
      %swap3A_61 = tpu.vector_load %arg9[%swap3A_59, %swap3A_60] {strides = array<i32>} : memref<16x128xf32, #tpu.memory_space<vmem>>, vector<1x16xf32>,
      %swap3A_62 = vector.shape_cast %swap3A_61 : vector<1x16xf32> to vector<16xf32>
      %swap3A_63 = vector.shape_cast %broadcast_in_dim3A_1 : vector<16xf32> to vector<1x16xf32>
      tpu.vector_store %arg9[%swap3A_59, %swap3A_60], %swap3A_63 {strides = array<i32>} : memref<16x128xf32, #tpu.memory_space<vmem>>, vector<1x16xf32>,
      %swap3A_64 = arith.index_cast %scan3A_28 : i32 to index
      %swap3A_65 = arith.constant 112 : index
      %swap3A_66 = tpu.vector_load %arg9[%swap3A_64, %swap3A_65] {strides = array<i32>} : memref<16x128xf32, #tpu.memory_space<vmem>>, vector<1x16xf32>,
      %swap3A_67 = vector.shape_cast %swap3A_66 : vector<1x16xf32> to vector<16xf32>
      %swap3A_68 = vector.shape_cast %broadcast_in_dim3A_1 : vector<16xf32> to vector<1x16xf32>
      tpu.vector_store %arg9[%swap3A_64, %swap3A_65], %swap3A_68 {strides = array<i32>} : memref<16x128xf32, #tpu.memory_space<vmem>>, vector<1x16xf32>,
      %scan3A_69 = arith.constant 0 : i32
      scf.yield %scan3A_69 : i32
    }
    %scan3A_7 = arith.constant 16 : i32
    %mul3A_8 = arith.constant 640 : i32
    %mul3A_9 = arith.muli %arg1, %mul3A_8 : i32
    %scan3A_10 = arith.constant 0 : i32
    %scan3A_11 = arith.constant 0 : i32
    %scan3A_12 = arith.constant 40 : i32
    %scan3A_13 = arith.addi %scan3A_11, %scan3A_12 : i32
    %scan3A_14 = arith.constant 1 : i32
    %scan3A_15 = scf.for %scan3A_28 = %scan3A_11 to %scan3A_13 step %scan3A_14 iter_args(%scan3A_29 = %scan3A_10) -> (i32)  : i32 {
      %mul3A_30 = arith.constant 16 : i32
      %mul3A_31 = arith.muli %scan3A_28, %mul3A_30 : i32
      %add3A_32 = arith.addi %mul3A_9, %mul3A_31 : i32
      "tpu.region"() ({
        %run_scoped3A = tpu.sem_alloc : memref<!tpu.dma_semaphore, #tpu.memory_space<semaphore_mem>>
        %dma_start3A = arith.constant 0 : i32
        %dma_start3A_34 = tpu.memref_slice %arg10[%add3A_32, %dma_start3A] : memref<10240x128xf32, #tpu.memory_space<vmem_shared>> -> memref<16x128xf32, #tpu.memory_space<vmem_shared>>
        %dma_start3A_35 = arith.constant 0 : i32
        %dma_start3A_36 = tpu.memref_slice %arg10[%add3A_32, %dma_start3A_35] : memref<10240x128xf32, #tpu.memory_space<vmem_shared>> -> memref<16x128xf32, #tpu.memory_space<vmem_shared>>
        tpu.enqueue_dma source(%arg9 : memref<16x128xf32, #tpu.memory_space<vmem>>) target(%dma_start3A_36 : memref<16x128xf32, #tpu.memory_space<vmem_shared>>) target_semaphore(%run_scoped3A : memref<!tpu.dma_semaphore, #tpu.memory_space<semaphore_mem>>)
        %dma_wait3A = arith.constant 0 : i32
        %dma_wait3A_37 = tpu.memref_slice %arg10[%add3A_32, %dma_wait3A] : memref<10240x128xf32, #tpu.memory_space<vmem_shared>> -> memref<16x128xf32, #tpu.memory_space<vmem_shared>>
        %dma_wait3A_38 = arith.constant 0 : i32
        %dma_wait3A_39 = tpu.memref_slice %arg10[%add3A_32, %dma_wait3A_38] : memref<10240x128xf32, #tpu.memory_space<vmem_shared>> -> memref<16x128xf32, #tpu.memory_space<vmem_shared>>
        tpu.wait_dma2 semaphore(%run_scoped3A : memref<!tpu.dma_semaphore, #tpu.memory_space<semaphore_mem>>) src(%arg9 : memref<16x128xf32, #tpu.memory_space<vmem>>) dst(%dma_wait3A_39 : memref<16x128xf32, #tpu.memory_space<vmem_shared>>)
        tpu.yield
      }) : () -> ()
      %scan3A_33 = arith.constant 0 : i32
      scf.yield %scan3A_33 : i32
    }
    %scan3A_16 = arith.constant 40 : i32
    %barrier3A = arith.constant 0 : index
    tpu.barrier barrier_id(%barrier3A)
    %scan3A_17 = arith.constant 0 : i32
    %scan3A_18 = arith.constant 0 : i32
    %scan3A_19 = arith.constant 79 : i32
    %scan3A_20 = arith.addi %scan3A_18, %scan3A_19 : i32
    %scan3A_21 = arith.constant 1 : i32
    %scan3A_22 = scf.for %scan3A_28 = %scan3A_18 to %scan3A_20 step %scan3A_21 iter_args(%scan3A_29 = %scan3A_17) -> (i32)  : i32 {
      %mul3A_30 = arith.constant 10112 : i32
      %mul3A_31 = arith.muli %add3A, %mul3A_30 : i32
      %mul3A_32 = arith.constant 128 : i32
      %mul3A_33 = arith.muli %scan3A_28, %mul3A_32 : i32
      %add3A_34 = arith.addi %mul3A_31, %mul3A_33 : i32
      "tpu.region"() ({
        %run_scoped3A = tpu.sem_alloc : memref<!tpu.dma_semaphore, #tpu.memory_space<semaphore_mem>>
        %dma_start3A_40 = tpu.memref_slice %arg2[%add3A_34] : memref<323584xi32, #tpu.memory_space<hbm>> -> memref<128xi32, #tpu.memory_space<hbm>>
        %dma_start3A_41 = tpu.memref_slice %arg2[%add3A_34] : memref<323584xi32, #tpu.memory_space<hbm>> -> memref<128xi32, #tpu.memory_space<hbm>>
        tpu.enqueue_dma source(%dma_start3A_41 : memref<128xi32, #tpu.memory_space<hbm>>) target(%arg6 : memref<128xi32, #tpu.memory_space<vmem>>) target_semaphore(%run_scoped3A : memref<!tpu.dma_semaphore, #tpu.memory_space<semaphore_mem>>)
        %dma_wait3A_42 = tpu.memref_slice %arg2[%add3A_34] : memref<323584xi32, #tpu.memory_space<hbm>> -> memref<128xi32, #tpu.memory_space<hbm>>
        %dma_wait3A_43 = tpu.memref_slice %arg2[%add3A_34] : memref<323584xi32, #tpu.memory_space<hbm>> -> memref<128xi32, #tpu.memory_space<hbm>>
        tpu.wait_dma2 semaphore(%run_scoped3A : memref<!tpu.dma_semaphore, #tpu.memory_space<semaphore_mem>>) src(%dma_wait3A_43 : memref<128xi32, #tpu.memory_space<hbm>>) dst(%arg6 : memref<128xi32, #tpu.memory_space<vmem>>)
        tpu.yield
      }) : () -> ()
      "tpu.region"() ({
        %run_scoped3A = tpu.sem_alloc : memref<!tpu.dma_semaphore, #tpu.memory_space<semaphore_mem>>
        %dma_start3A_40 = tpu.memref_slice %arg3[%add3A_34] : memref<323584xi32, #tpu.memory_space<hbm>> -> memref<128xi32, #tpu.memory_space<hbm>>
        %dma_start3A_41 = tpu.memref_slice %arg3[%add3A_34] : memref<323584xi32, #tpu.memory_space<hbm>> -> memref<128xi32, #tpu.memory_space<hbm>>
        tpu.enqueue_dma source(%dma_start3A_41 : memref<128xi32, #tpu.memory_space<hbm>>) target(%arg7 : memref<128xi32, #tpu.memory_space<vmem>>) target_semaphore(%run_scoped3A : memref<!tpu.dma_semaphore, #tpu.memory_space<semaphore_mem>>)
        %dma_wait3A_42 = tpu.memref_slice %arg3[%add3A_34] : memref<323584xi32, #tpu.memory_space<hbm>> -> memref<128xi32, #tpu.memory_space<hbm>>
        %dma_wait3A_43 = tpu.memref_slice %arg3[%add3A_34] : memref<323584xi32, #tpu.memory_space<hbm>> -> memref<128xi32, #tpu.memory_space<hbm>>
        tpu.wait_dma2 semaphore(%run_scoped3A : memref<!tpu.dma_semaphore, #tpu.memory_space<semaphore_mem>>) src(%dma_wait3A_43 : memref<128xi32, #tpu.memory_space<hbm>>) dst(%arg7 : memref<128xi32, #tpu.memory_space<vmem>>)
        tpu.yield
      }) : () -> ()
      %dma_start3A = arith.constant 0 : i32
      %dma_start3A_35 = arith.constant 0 : i32
      %dma_start3A_36 = tpu.memref_slice %arg4[%dma_start3A, %dma_start3A_35] : memref<10240x128xf32, #tpu.memory_space<hbm>> -> memref<10240x128xf32, #tpu.memory_space<hbm>>
      tpu.enqueue_indirect_dma source(%dma_start3A_36 : memref<10240x128xf32, #tpu.memory_space<hbm>>) target(%arg8 : memref<128x128xf32, #tpu.memory_space<vmem>>) offsets(%arg6 : memref<128xi32, #tpu.memory_space<vmem>>) semaphore(%arg11 : memref<!tpu.dma_semaphore, #tpu.memory_space<semaphore_mem>>)
      %dma_wait3A = arith.constant 0 : i32
      %dma_wait3A_37 = arith.constant 0 : i32
      %dma_wait3A_38 = tpu.memref_slice %arg4[%dma_wait3A, %dma_wait3A_37] : memref<10240x128xf32, #tpu.memory_space<hbm>> -> memref<10240x128xf32, #tpu.memory_space<hbm>>
      tpu.wait_indirect_dma semaphore(%arg11 : memref<!tpu.dma_semaphore, #tpu.memory_space<semaphore_mem>>) src(%dma_wait3A_38 : memref<10240x128xf32, #tpu.memory_space<hbm>>) dst(%arg8 : memref<128x128xf32, #tpu.memory_space<vmem>>)
      "tpu.region"() ({
        %run_scoped3A = tpu.sem_alloc : memref<!tpu.dma_semaphore, #tpu.memory_space<semaphore_mem>>
        %dma_start3A_40 = arith.constant 0 : i32
        %dma_start3A_41 = arith.constant 0 : i32
        %dma_start3A_42 = tpu.memref_slice %arg10[%dma_start3A_40, %dma_start3A_41] : memref<10240x128xf32, #tpu.memory_space<vmem_shared>> -> memref<10240x128xf32, #tpu.memory_space<vmem_shared>>
        tpu.enqueue_indirect_dma source(%arg8 : memref<128x128xf32, #tpu.memory_space<vmem>>) target(%dma_start3A_42 : memref<10240x128xf32, #tpu.memory_space<vmem_shared>>) offsets(%arg7 : memref<128xi32, #tpu.memory_space<vmem>>) semaphore(%run_scoped3A : memref<!tpu.dma_semaphore, #tpu.memory_space<semaphore_mem>>) {add = true}
        %dma_wait3A_43 = arith.constant 0 : i32
        %dma_wait3A_44 = arith.constant 0 : i32
        %dma_wait3A_45 = tpu.memref_slice %arg10[%dma_wait3A_43, %dma_wait3A_44] : memref<10240x128xf32, #tpu.memory_space<vmem_shared>> -> memref<10240x128xf32, #tpu.memory_space<vmem_shared>>
        tpu.wait_indirect_dma semaphore(%run_scoped3A : memref<!tpu.dma_semaphore, #tpu.memory_space<semaphore_mem>>) src(%arg8 : memref<128x128xf32, #tpu.memory_space<vmem>>) dst(%dma_wait3A_45 : memref<10240x128xf32, #tpu.memory_space<vmem_shared>>)
        tpu.yield
      }) : () -> ()
      %scan3A_39 = arith.constant 0 : i32
      scf.yield %scan3A_39 : i32
    }
    %scan3A_23 = arith.constant 79 : i32
    %barrier3A_24 = arith.constant 0 : index
    tpu.barrier barrier_id(%barrier3A_24)
    %mul3A_25 = arith.constant 10240 : i32
    %mul3A_26 = arith.muli %arg0, %mul3A_25 : i32
    %add3A_27 = arith.addi %mul3A_26, %mul3A_9 : i32
    "tpu.region"() ({
      %run_scoped3A = tpu.sem_alloc : memref<!tpu.dma_semaphore, #tpu.memory_space<semaphore_mem>>
      %dma_start3A = arith.constant 0 : i32
      %dma_start3A_28 = tpu.memref_slice %arg5[%add3A_27, %dma_start3A] : memref<20480x128xf32, #tpu.memory_space<hbm>> -> memref<640x128xf32, #tpu.memory_space<hbm>>
      %dma_start3A_29 = arith.constant 0 : i32
      %dma_start3A_30 = tpu.memref_slice %arg10[%mul3A_9, %dma_start3A_29] : memref<10240x128xf32, #tpu.memory_space<vmem_shared>> -> memref<640x128xf32, #tpu.memory_space<vmem_shared>>
      tpu.enqueue_dma source(%dma_start3A_30 : memref<640x128xf32, #tpu.memory_space<vmem_shared>>) target(%dma_start3A_28 : memref<640x128xf32, #tpu.memory_space<hbm>>) target_semaphore(%run_scoped3A : memref<!tpu.dma_semaphore, #tpu.memory_space<semaphore_mem>>)
      %dma_wait3A = arith.constant 0 : i32
      %dma_wait3A_31 = tpu.memref_slice %arg5[%add3A_27, %dma_wait3A] : memref<20480x128xf32, #tpu.memory_space<hbm>> -> memref<640x128xf32, #tpu.memory_space<hbm>>
      %dma_wait3A_32 = arith.constant 0 : i32
      %dma_wait3A_33 = tpu.memref_slice %arg10[%mul3A_9, %dma_wait3A_32] : memref<10240x128xf32, #tpu.memory_space<vmem_shared>> -> memref<640x128xf32, #tpu.memory_space<vmem_shared>>
      tpu.wait_dma2 semaphore(%run_scoped3A : memref<!tpu.dma_semaphore, #tpu.memory_space<semaphore_mem>>) src(%dma_wait3A_33 : memref<640x128xf32, #tpu.memory_space<vmem_shared>>) dst(%dma_wait3A_31 : memref<640x128xf32, #tpu.memory_space<hbm>>)
      tpu.yield
    }) : () -> ()
    return
  }
}

#map = affine_map<(d0, d1) -> (0)>
module attributes {stable_mosaic.version = 14 : i64} {
  func.func @deg_kernel(%arg0: i32, %arg1: i32, %arg2: memref<323584xi32, #tpu.memory_space<hbm>>, %arg3: memref<20480xf32, #tpu.memory_space<hbm>>, %arg4: memref<128xi32, #tpu.memory_space<vmem>>, %arg5: memref<128xf32, #tpu.memory_space<vmem>>, %arg6: memref<640xf32, #tpu.memory_space<vmem>>, %arg7: memref<10240xf32, #tpu.memory_space<vmem_shared>>) attributes {dimension_semantics = [#tpu.dimension_semantics<core_parallel>, #tpu.dimension_semantics<subcore_parallel>], iteration_bounds = array<i64: 2, 16>, scalar_prefetch = 0 : i64, scratch_operands = 4 : i64, tpu.core_type = #tpu.core_type<sc_vector_subcore>, window_params = [{transform_indices = #map}, {transform_indices = #map}]} {
    %mul3A = arith.constant 16 : i32
    %mul3A_0 = arith.muli %arg0, %mul3A : i32
    %add3A = arith.addi %mul3A_0, %arg1 : i32
    %broadcast_in_dim3A = arith.constant 1.000000e+00 : f32
    %broadcast_in_dim3A_1 = vector.broadcast %broadcast_in_dim3A : f32 to vector<16xf32>
    %scan3A = arith.constant 0 : i32
    %scan3A_2 = arith.constant 0 : i32
    %scan3A_3 = arith.constant 8 : i32
    %scan3A_4 = arith.addi %scan3A_2, %scan3A_3 : i32
    %scan3A_5 = arith.constant 1 : i32
    %scan3A_6 = scf.for %scan3A_30 = %scan3A_2 to %scan3A_4 step %scan3A_5 iter_args(%scan3A_31 = %scan3A) -> (i32)  : i32 {
      %mul3A_32 = arith.constant 16 : i32
      %mul3A_33 = arith.muli %scan3A_30, %mul3A_32 : i32
      %swap3A = arith.index_cast %mul3A_33 : i32 to index
      %swap3A_34 = tpu.vector_load %arg5[%swap3A] {strides = array<i32>} : memref<128xf32, #tpu.memory_space<vmem>>, vector<16xf32>,
      %swap3A_35 = vector.shape_cast %swap3A_34 : vector<16xf32> to vector<16xf32>
      %swap3A_36 = vector.shape_cast %broadcast_in_dim3A_1 : vector<16xf32> to vector<16xf32>
      tpu.vector_store %arg5[%swap3A], %swap3A_36 {strides = array<i32>} : memref<128xf32, #tpu.memory_space<vmem>>, vector<16xf32>,
      %scan3A_37 = arith.constant 0 : i32
      scf.yield %scan3A_37 : i32
    }
    %scan3A_7 = arith.constant 8 : i32
    %broadcast_in_dim3A_8 = arith.constant 0.000000e+00 : f32
    %broadcast_in_dim3A_9 = vector.broadcast %broadcast_in_dim3A_8 : f32 to vector<16xf32>
    %scan3A_10 = arith.constant 0 : i32
    %scan3A_11 = arith.constant 0 : i32
    %scan3A_12 = arith.constant 40 : i32
    %scan3A_13 = arith.addi %scan3A_11, %scan3A_12 : i32
    %scan3A_14 = arith.constant 1 : i32
    %scan3A_15 = scf.for %scan3A_30 = %scan3A_11 to %scan3A_13 step %scan3A_14 iter_args(%scan3A_31 = %scan3A_10) -> (i32)  : i32 {
      %mul3A_32 = arith.constant 16 : i32
      %mul3A_33 = arith.muli %scan3A_30, %mul3A_32 : i32
      %swap3A = arith.index_cast %mul3A_33 : i32 to index
      %swap3A_34 = tpu.vector_load %arg6[%swap3A] {strides = array<i32>} : memref<640xf32, #tpu.memory_space<vmem>>, vector<16xf32>,
      %swap3A_35 = vector.shape_cast %swap3A_34 : vector<16xf32> to vector<16xf32>
      %swap3A_36 = vector.shape_cast %broadcast_in_dim3A_9 : vector<16xf32> to vector<16xf32>
      tpu.vector_store %arg6[%swap3A], %swap3A_36 {strides = array<i32>} : memref<640xf32, #tpu.memory_space<vmem>>, vector<16xf32>,
      %scan3A_37 = arith.constant 0 : i32
      scf.yield %scan3A_37 : i32
    }
    %scan3A_16 = arith.constant 40 : i32
    %mul3A_17 = arith.constant 640 : i32
    %mul3A_18 = arith.muli %arg1, %mul3A_17 : i32
    "tpu.region"() ({
      %run_scoped3A = tpu.sem_alloc : memref<!tpu.dma_semaphore, #tpu.memory_space<semaphore_mem>>
      %dma_start3A = tpu.memref_slice %arg7[%mul3A_18] : memref<10240xf32, #tpu.memory_space<vmem_shared>> -> memref<640xf32, #tpu.memory_space<vmem_shared>>
      %dma_start3A_30 = tpu.memref_slice %arg7[%mul3A_18] : memref<10240xf32, #tpu.memory_space<vmem_shared>> -> memref<640xf32, #tpu.memory_space<vmem_shared>>
      tpu.enqueue_dma source(%arg6 : memref<640xf32, #tpu.memory_space<vmem>>) target(%dma_start3A_30 : memref<640xf32, #tpu.memory_space<vmem_shared>>) target_semaphore(%run_scoped3A : memref<!tpu.dma_semaphore, #tpu.memory_space<semaphore_mem>>)
      %dma_wait3A = tpu.memref_slice %arg7[%mul3A_18] : memref<10240xf32, #tpu.memory_space<vmem_shared>> -> memref<640xf32, #tpu.memory_space<vmem_shared>>
      %dma_wait3A_31 = tpu.memref_slice %arg7[%mul3A_18] : memref<10240xf32, #tpu.memory_space<vmem_shared>> -> memref<640xf32, #tpu.memory_space<vmem_shared>>
      tpu.wait_dma2 semaphore(%run_scoped3A : memref<!tpu.dma_semaphore, #tpu.memory_space<semaphore_mem>>) src(%arg6 : memref<640xf32, #tpu.memory_space<vmem>>) dst(%dma_wait3A_31 : memref<640xf32, #tpu.memory_space<vmem_shared>>)
      tpu.yield
    }) : () -> ()
    %barrier3A = arith.constant 0 : index
    tpu.barrier barrier_id(%barrier3A)
    %scan3A_19 = arith.constant 0 : i32
    %scan3A_20 = arith.constant 0 : i32
    %scan3A_21 = arith.constant 79 : i32
    %scan3A_22 = arith.addi %scan3A_20, %scan3A_21 : i32
    %scan3A_23 = arith.constant 1 : i32
    %scan3A_24 = scf.for %scan3A_30 = %scan3A_20 to %scan3A_22 step %scan3A_23 iter_args(%scan3A_31 = %scan3A_19) -> (i32)  : i32 {
      %mul3A_32 = arith.constant 10112 : i32
      %mul3A_33 = arith.muli %add3A, %mul3A_32 : i32
      %mul3A_34 = arith.constant 128 : i32
      %mul3A_35 = arith.muli %scan3A_30, %mul3A_34 : i32
      %add3A_36 = arith.addi %mul3A_33, %mul3A_35 : i32
      "tpu.region"() ({
        %run_scoped3A = tpu.sem_alloc : memref<!tpu.dma_semaphore, #tpu.memory_space<semaphore_mem>>
        %dma_start3A = tpu.memref_slice %arg2[%add3A_36] : memref<323584xi32, #tpu.memory_space<hbm>> -> memref<128xi32, #tpu.memory_space<hbm>>
        %dma_start3A_38 = tpu.memref_slice %arg2[%add3A_36] : memref<323584xi32, #tpu.memory_space<hbm>> -> memref<128xi32, #tpu.memory_space<hbm>>
        tpu.enqueue_dma source(%dma_start3A_38 : memref<128xi32, #tpu.memory_space<hbm>>) target(%arg4 : memref<128xi32, #tpu.memory_space<vmem>>) target_semaphore(%run_scoped3A : memref<!tpu.dma_semaphore, #tpu.memory_space<semaphore_mem>>)
        %dma_wait3A = tpu.memref_slice %arg2[%add3A_36] : memref<323584xi32, #tpu.memory_space<hbm>> -> memref<128xi32, #tpu.memory_space<hbm>>
        %dma_wait3A_39 = tpu.memref_slice %arg2[%add3A_36] : memref<323584xi32, #tpu.memory_space<hbm>> -> memref<128xi32, #tpu.memory_space<hbm>>
        tpu.wait_dma2 semaphore(%run_scoped3A : memref<!tpu.dma_semaphore, #tpu.memory_space<semaphore_mem>>) src(%dma_wait3A_39 : memref<128xi32, #tpu.memory_space<hbm>>) dst(%arg4 : memref<128xi32, #tpu.memory_space<vmem>>)
        tpu.yield
      }) : () -> ()
      "tpu.region"() ({
        %run_scoped3A = tpu.sem_alloc : memref<!tpu.dma_semaphore, #tpu.memory_space<semaphore_mem>>
        %dma_start3A = arith.constant 0 : i32
        %dma_start3A_38 = tpu.memref_slice %arg7[%dma_start3A] : memref<10240xf32, #tpu.memory_space<vmem_shared>> -> memref<10240xf32, #tpu.memory_space<vmem_shared>>
        tpu.enqueue_indirect_dma source(%arg5 : memref<128xf32, #tpu.memory_space<vmem>>) target(%dma_start3A_38 : memref<10240xf32, #tpu.memory_space<vmem_shared>>) offsets(%arg4 : memref<128xi32, #tpu.memory_space<vmem>>) semaphore(%run_scoped3A : memref<!tpu.dma_semaphore, #tpu.memory_space<semaphore_mem>>) {add = true}
        %dma_wait3A = arith.constant 0 : i32
        %dma_wait3A_39 = tpu.memref_slice %arg7[%dma_wait3A] : memref<10240xf32, #tpu.memory_space<vmem_shared>> -> memref<10240xf32, #tpu.memory_space<vmem_shared>>
        tpu.wait_indirect_dma semaphore(%run_scoped3A : memref<!tpu.dma_semaphore, #tpu.memory_space<semaphore_mem>>) src(%arg5 : memref<128xf32, #tpu.memory_space<vmem>>) dst(%dma_wait3A_39 : memref<10240xf32, #tpu.memory_space<vmem_shared>>)
        tpu.yield
      }) : () -> ()
      %scan3A_37 = arith.constant 0 : i32
      scf.yield %scan3A_37 : i32
    }
    %scan3A_25 = arith.constant 79 : i32
    %barrier3A_26 = arith.constant 0 : index
    tpu.barrier barrier_id(%barrier3A_26)
    %mul3A_27 = arith.constant 10240 : i32
    %mul3A_28 = arith.muli %arg0, %mul3A_27 : i32
    %add3A_29 = arith.addi %mul3A_28, %mul3A_18 : i32
    "tpu.region"() ({
      %run_scoped3A = tpu.sem_alloc : memref<!tpu.dma_semaphore, #tpu.memory_space<semaphore_mem>>
      %dma_start3A = tpu.memref_slice %arg3[%add3A_29] : memref<20480xf32, #tpu.memory_space<hbm>> -> memref<640xf32, #tpu.memory_space<hbm>>
      %dma_start3A_30 = tpu.memref_slice %arg7[%mul3A_18] : memref<10240xf32, #tpu.memory_space<vmem_shared>> -> memref<640xf32, #tpu.memory_space<vmem_shared>>
      tpu.enqueue_dma source(%dma_start3A_30 : memref<640xf32, #tpu.memory_space<vmem_shared>>) target(%dma_start3A : memref<640xf32, #tpu.memory_space<hbm>>) target_semaphore(%run_scoped3A : memref<!tpu.dma_semaphore, #tpu.memory_space<semaphore_mem>>)
      %dma_wait3A = tpu.memref_slice %arg3[%add3A_29] : memref<20480xf32, #tpu.memory_space<hbm>> -> memref<640xf32, #tpu.memory_space<hbm>>
      %dma_wait3A_31 = tpu.memref_slice %arg7[%mul3A_18] : memref<10240xf32, #tpu.memory_space<vmem_shared>> -> memref<640xf32, #tpu.memory_space<vmem_shared>>
      tpu.wait_dma2 semaphore(%run_scoped3A : memref<!tpu.dma_semaphore, #tpu.memory_space<semaphore_mem>>) src(%dma_wait3A_31 : memref<640xf32, #tpu.memory_space<vmem_shared>>) dst(%dma_wait3A : memref<640xf32, #tpu.memory_space<hbm>>)
      tpu.yield
    }) : () -> ()
    return
  }
}

#map = affine_map<(d0, d1) -> (0)>
#map1 = affine_map<(d0, d1) -> (0, 0)>
module attributes {stable_mosaic.version = 14 : i64} {
  func.func @agg(%arg0: i32, %arg1: i32, %arg2: memref<323584xi32, #tpu.memory_space<hbm>>, %arg3: memref<323584xi32, #tpu.memory_space<hbm>>, %arg4: memref<10240x64xf32, #tpu.memory_space<hbm>>, %arg5: memref<20480x64xf32, #tpu.memory_space<hbm>>, %arg6: memref<128xi32, #tpu.memory_space<vmem>>, %arg7: memref<128xi32, #tpu.memory_space<vmem>>, %arg8: memref<128x64xf32, #tpu.memory_space<vmem>>, %arg9: memref<16x64xf32, #tpu.memory_space<vmem>>, %arg10: memref<10240x64xf32, #tpu.memory_space<vmem_shared>>, %arg11: memref<!tpu.dma_semaphore, #tpu.memory_space<semaphore_mem>>) attributes {dimension_semantics = [#tpu.dimension_semantics<core_parallel>, #tpu.dimension_semantics<subcore_parallel>], iteration_bounds = array<i64: 2, 16>, scalar_prefetch = 0 : i64, scratch_operands = 6 : i64, tpu.core_type = #tpu.core_type<sc_vector_subcore>, window_params = [{transform_indices = #map}, {transform_indices = #map}, {transform_indices = #map1}, {transform_indices = #map1}]} {
    %mul3A = arith.constant 16 : i32
    %mul3A_0 = arith.muli %arg0, %mul3A : i32
    %add3A = arith.addi %mul3A_0, %arg1 : i32
    %broadcast_in_dim3A = arith.constant 0.000000e+00 : f32
    %broadcast_in_dim3A_1 = vector.broadcast %broadcast_in_dim3A : f32 to vector<16xf32>
    %scan3A = arith.constant 0 : i32
    %scan3A_2 = arith.constant 0 : i32
    %scan3A_3 = arith.constant 16 : i32
    %scan3A_4 = arith.addi %scan3A_2, %scan3A_3 : i32
    %scan3A_5 = arith.constant 1 : i32
    %scan3A_6 = scf.for %scan3A_28 = %scan3A_2 to %scan3A_4 step %scan3A_5 iter_args(%scan3A_29 = %scan3A) -> (i32)  : i32 {
      %swap3A = arith.index_cast %scan3A_28 : i32 to index
      %swap3A_30 = arith.constant 0 : index
      %swap3A_31 = tpu.vector_load %arg9[%swap3A, %swap3A_30] {strides = array<i32>} : memref<16x64xf32, #tpu.memory_space<vmem>>, vector<1x16xf32>,
      %swap3A_32 = vector.shape_cast %swap3A_31 : vector<1x16xf32> to vector<16xf32>
      %swap3A_33 = vector.shape_cast %broadcast_in_dim3A_1 : vector<16xf32> to vector<1x16xf32>
      tpu.vector_store %arg9[%swap3A, %swap3A_30], %swap3A_33 {strides = array<i32>} : memref<16x64xf32, #tpu.memory_space<vmem>>, vector<1x16xf32>,
      %swap3A_34 = arith.index_cast %scan3A_28 : i32 to index
      %swap3A_35 = arith.constant 16 : index
      %swap3A_36 = tpu.vector_load %arg9[%swap3A_34, %swap3A_35] {strides = array<i32>} : memref<16x64xf32, #tpu.memory_space<vmem>>, vector<1x16xf32>,
      %swap3A_37 = vector.shape_cast %swap3A_36 : vector<1x16xf32> to vector<16xf32>
      %swap3A_38 = vector.shape_cast %broadcast_in_dim3A_1 : vector<16xf32> to vector<1x16xf32>
      tpu.vector_store %arg9[%swap3A_34, %swap3A_35], %swap3A_38 {strides = array<i32>} : memref<16x64xf32, #tpu.memory_space<vmem>>, vector<1x16xf32>,
      %swap3A_39 = arith.index_cast %scan3A_28 : i32 to index
      %swap3A_40 = arith.constant 32 : index
      %swap3A_41 = tpu.vector_load %arg9[%swap3A_39, %swap3A_40] {strides = array<i32>} : memref<16x64xf32, #tpu.memory_space<vmem>>, vector<1x16xf32>,
      %swap3A_42 = vector.shape_cast %swap3A_41 : vector<1x16xf32> to vector<16xf32>
      %swap3A_43 = vector.shape_cast %broadcast_in_dim3A_1 : vector<16xf32> to vector<1x16xf32>
      tpu.vector_store %arg9[%swap3A_39, %swap3A_40], %swap3A_43 {strides = array<i32>} : memref<16x64xf32, #tpu.memory_space<vmem>>, vector<1x16xf32>,
      %swap3A_44 = arith.index_cast %scan3A_28 : i32 to index
      %swap3A_45 = arith.constant 48 : index
      %swap3A_46 = tpu.vector_load %arg9[%swap3A_44, %swap3A_45] {strides = array<i32>} : memref<16x64xf32, #tpu.memory_space<vmem>>, vector<1x16xf32>,
      %swap3A_47 = vector.shape_cast %swap3A_46 : vector<1x16xf32> to vector<16xf32>
      %swap3A_48 = vector.shape_cast %broadcast_in_dim3A_1 : vector<16xf32> to vector<1x16xf32>
      tpu.vector_store %arg9[%swap3A_44, %swap3A_45], %swap3A_48 {strides = array<i32>} : memref<16x64xf32, #tpu.memory_space<vmem>>, vector<1x16xf32>,
      %scan3A_49 = arith.constant 0 : i32
      scf.yield %scan3A_49 : i32
    }
    %scan3A_7 = arith.constant 16 : i32
    %mul3A_8 = arith.constant 640 : i32
    %mul3A_9 = arith.muli %arg1, %mul3A_8 : i32
    %scan3A_10 = arith.constant 0 : i32
    %scan3A_11 = arith.constant 0 : i32
    %scan3A_12 = arith.constant 40 : i32
    %scan3A_13 = arith.addi %scan3A_11, %scan3A_12 : i32
    %scan3A_14 = arith.constant 1 : i32
    %scan3A_15 = scf.for %scan3A_28 = %scan3A_11 to %scan3A_13 step %scan3A_14 iter_args(%scan3A_29 = %scan3A_10) -> (i32)  : i32 {
      %mul3A_30 = arith.constant 16 : i32
      %mul3A_31 = arith.muli %scan3A_28, %mul3A_30 : i32
      %add3A_32 = arith.addi %mul3A_9, %mul3A_31 : i32
      "tpu.region"() ({
        %run_scoped3A = tpu.sem_alloc : memref<!tpu.dma_semaphore, #tpu.memory_space<semaphore_mem>>
        %dma_start3A = arith.constant 0 : i32
        %dma_start3A_34 = tpu.memref_slice %arg10[%add3A_32, %dma_start3A] : memref<10240x64xf32, #tpu.memory_space<vmem_shared>> -> memref<16x64xf32, #tpu.memory_space<vmem_shared>>
        %dma_start3A_35 = arith.constant 0 : i32
        %dma_start3A_36 = tpu.memref_slice %arg10[%add3A_32, %dma_start3A_35] : memref<10240x64xf32, #tpu.memory_space<vmem_shared>> -> memref<16x64xf32, #tpu.memory_space<vmem_shared>>
        tpu.enqueue_dma source(%arg9 : memref<16x64xf32, #tpu.memory_space<vmem>>) target(%dma_start3A_36 : memref<16x64xf32, #tpu.memory_space<vmem_shared>>) target_semaphore(%run_scoped3A : memref<!tpu.dma_semaphore, #tpu.memory_space<semaphore_mem>>)
        %dma_wait3A = arith.constant 0 : i32
        %dma_wait3A_37 = tpu.memref_slice %arg10[%add3A_32, %dma_wait3A] : memref<10240x64xf32, #tpu.memory_space<vmem_shared>> -> memref<16x64xf32, #tpu.memory_space<vmem_shared>>
        %dma_wait3A_38 = arith.constant 0 : i32
        %dma_wait3A_39 = tpu.memref_slice %arg10[%add3A_32, %dma_wait3A_38] : memref<10240x64xf32, #tpu.memory_space<vmem_shared>> -> memref<16x64xf32, #tpu.memory_space<vmem_shared>>
        tpu.wait_dma2 semaphore(%run_scoped3A : memref<!tpu.dma_semaphore, #tpu.memory_space<semaphore_mem>>) src(%arg9 : memref<16x64xf32, #tpu.memory_space<vmem>>) dst(%dma_wait3A_39 : memref<16x64xf32, #tpu.memory_space<vmem_shared>>)
        tpu.yield
      }) : () -> ()
      %scan3A_33 = arith.constant 0 : i32
      scf.yield %scan3A_33 : i32
    }
    %scan3A_16 = arith.constant 40 : i32
    %barrier3A = arith.constant 0 : index
    tpu.barrier barrier_id(%barrier3A)
    %scan3A_17 = arith.constant 0 : i32
    %scan3A_18 = arith.constant 0 : i32
    %scan3A_19 = arith.constant 79 : i32
    %scan3A_20 = arith.addi %scan3A_18, %scan3A_19 : i32
    %scan3A_21 = arith.constant 1 : i32
    %scan3A_22 = scf.for %scan3A_28 = %scan3A_18 to %scan3A_20 step %scan3A_21 iter_args(%scan3A_29 = %scan3A_17) -> (i32)  : i32 {
      %mul3A_30 = arith.constant 10112 : i32
      %mul3A_31 = arith.muli %add3A, %mul3A_30 : i32
      %mul3A_32 = arith.constant 128 : i32
      %mul3A_33 = arith.muli %scan3A_28, %mul3A_32 : i32
      %add3A_34 = arith.addi %mul3A_31, %mul3A_33 : i32
      "tpu.region"() ({
        %run_scoped3A = tpu.sem_alloc : memref<!tpu.dma_semaphore, #tpu.memory_space<semaphore_mem>>
        %dma_start3A_40 = tpu.memref_slice %arg2[%add3A_34] : memref<323584xi32, #tpu.memory_space<hbm>> -> memref<128xi32, #tpu.memory_space<hbm>>
        %dma_start3A_41 = tpu.memref_slice %arg2[%add3A_34] : memref<323584xi32, #tpu.memory_space<hbm>> -> memref<128xi32, #tpu.memory_space<hbm>>
        tpu.enqueue_dma source(%dma_start3A_41 : memref<128xi32, #tpu.memory_space<hbm>>) target(%arg6 : memref<128xi32, #tpu.memory_space<vmem>>) target_semaphore(%run_scoped3A : memref<!tpu.dma_semaphore, #tpu.memory_space<semaphore_mem>>)
        %dma_wait3A_42 = tpu.memref_slice %arg2[%add3A_34] : memref<323584xi32, #tpu.memory_space<hbm>> -> memref<128xi32, #tpu.memory_space<hbm>>
        %dma_wait3A_43 = tpu.memref_slice %arg2[%add3A_34] : memref<323584xi32, #tpu.memory_space<hbm>> -> memref<128xi32, #tpu.memory_space<hbm>>
        tpu.wait_dma2 semaphore(%run_scoped3A : memref<!tpu.dma_semaphore, #tpu.memory_space<semaphore_mem>>) src(%dma_wait3A_43 : memref<128xi32, #tpu.memory_space<hbm>>) dst(%arg6 : memref<128xi32, #tpu.memory_space<vmem>>)
        tpu.yield
      }) : () -> ()
      "tpu.region"() ({
        %run_scoped3A = tpu.sem_alloc : memref<!tpu.dma_semaphore, #tpu.memory_space<semaphore_mem>>
        %dma_start3A_40 = tpu.memref_slice %arg3[%add3A_34] : memref<323584xi32, #tpu.memory_space<hbm>> -> memref<128xi32, #tpu.memory_space<hbm>>
        %dma_start3A_41 = tpu.memref_slice %arg3[%add3A_34] : memref<323584xi32, #tpu.memory_space<hbm>> -> memref<128xi32, #tpu.memory_space<hbm>>
        tpu.enqueue_dma source(%dma_start3A_41 : memref<128xi32, #tpu.memory_space<hbm>>) target(%arg7 : memref<128xi32, #tpu.memory_space<vmem>>) target_semaphore(%run_scoped3A : memref<!tpu.dma_semaphore, #tpu.memory_space<semaphore_mem>>)
        %dma_wait3A_42 = tpu.memref_slice %arg3[%add3A_34] : memref<323584xi32, #tpu.memory_space<hbm>> -> memref<128xi32, #tpu.memory_space<hbm>>
        %dma_wait3A_43 = tpu.memref_slice %arg3[%add3A_34] : memref<323584xi32, #tpu.memory_space<hbm>> -> memref<128xi32, #tpu.memory_space<hbm>>
        tpu.wait_dma2 semaphore(%run_scoped3A : memref<!tpu.dma_semaphore, #tpu.memory_space<semaphore_mem>>) src(%dma_wait3A_43 : memref<128xi32, #tpu.memory_space<hbm>>) dst(%arg7 : memref<128xi32, #tpu.memory_space<vmem>>)
        tpu.yield
      }) : () -> ()
      %dma_start3A = arith.constant 0 : i32
      %dma_start3A_35 = arith.constant 0 : i32
      %dma_start3A_36 = tpu.memref_slice %arg4[%dma_start3A, %dma_start3A_35] : memref<10240x64xf32, #tpu.memory_space<hbm>> -> memref<10240x64xf32, #tpu.memory_space<hbm>>
      tpu.enqueue_indirect_dma source(%dma_start3A_36 : memref<10240x64xf32, #tpu.memory_space<hbm>>) target(%arg8 : memref<128x64xf32, #tpu.memory_space<vmem>>) offsets(%arg6 : memref<128xi32, #tpu.memory_space<vmem>>) semaphore(%arg11 : memref<!tpu.dma_semaphore, #tpu.memory_space<semaphore_mem>>)
      %dma_wait3A = arith.constant 0 : i32
      %dma_wait3A_37 = arith.constant 0 : i32
      %dma_wait3A_38 = tpu.memref_slice %arg4[%dma_wait3A, %dma_wait3A_37] : memref<10240x64xf32, #tpu.memory_space<hbm>> -> memref<10240x64xf32, #tpu.memory_space<hbm>>
      tpu.wait_indirect_dma semaphore(%arg11 : memref<!tpu.dma_semaphore, #tpu.memory_space<semaphore_mem>>) src(%dma_wait3A_38 : memref<10240x64xf32, #tpu.memory_space<hbm>>) dst(%arg8 : memref<128x64xf32, #tpu.memory_space<vmem>>)
      "tpu.region"() ({
        %run_scoped3A = tpu.sem_alloc : memref<!tpu.dma_semaphore, #tpu.memory_space<semaphore_mem>>
        %dma_start3A_40 = arith.constant 0 : i32
        %dma_start3A_41 = arith.constant 0 : i32
        %dma_start3A_42 = tpu.memref_slice %arg10[%dma_start3A_40, %dma_start3A_41] : memref<10240x64xf32, #tpu.memory_space<vmem_shared>> -> memref<10240x64xf32, #tpu.memory_space<vmem_shared>>
        tpu.enqueue_indirect_dma source(%arg8 : memref<128x64xf32, #tpu.memory_space<vmem>>) target(%dma_start3A_42 : memref<10240x64xf32, #tpu.memory_space<vmem_shared>>) offsets(%arg7 : memref<128xi32, #tpu.memory_space<vmem>>) semaphore(%run_scoped3A : memref<!tpu.dma_semaphore, #tpu.memory_space<semaphore_mem>>) {add = true}
        %dma_wait3A_43 = arith.constant 0 : i32
        %dma_wait3A_44 = arith.constant 0 : i32
        %dma_wait3A_45 = tpu.memref_slice %arg10[%dma_wait3A_43, %dma_wait3A_44] : memref<10240x64xf32, #tpu.memory_space<vmem_shared>> -> memref<10240x64xf32, #tpu.memory_space<vmem_shared>>
        tpu.wait_indirect_dma semaphore(%run_scoped3A : memref<!tpu.dma_semaphore, #tpu.memory_space<semaphore_mem>>) src(%arg8 : memref<128x64xf32, #tpu.memory_space<vmem>>) dst(%dma_wait3A_45 : memref<10240x64xf32, #tpu.memory_space<vmem_shared>>)
        tpu.yield
      }) : () -> ()
      %scan3A_39 = arith.constant 0 : i32
      scf.yield %scan3A_39 : i32
    }
    %scan3A_23 = arith.constant 79 : i32
    %barrier3A_24 = arith.constant 0 : index
    tpu.barrier barrier_id(%barrier3A_24)
    %mul3A_25 = arith.constant 10240 : i32
    %mul3A_26 = arith.muli %arg0, %mul3A_25 : i32
    %add3A_27 = arith.addi %mul3A_26, %mul3A_9 : i32
    "tpu.region"() ({
      %run_scoped3A = tpu.sem_alloc : memref<!tpu.dma_semaphore, #tpu.memory_space<semaphore_mem>>
      %dma_start3A = arith.constant 0 : i32
      %dma_start3A_28 = tpu.memref_slice %arg5[%add3A_27, %dma_start3A] : memref<20480x64xf32, #tpu.memory_space<hbm>> -> memref<640x64xf32, #tpu.memory_space<hbm>>
      %dma_start3A_29 = arith.constant 0 : i32
      %dma_start3A_30 = tpu.memref_slice %arg10[%mul3A_9, %dma_start3A_29] : memref<10240x64xf32, #tpu.memory_space<vmem_shared>> -> memref<640x64xf32, #tpu.memory_space<vmem_shared>>
      tpu.enqueue_dma source(%dma_start3A_30 : memref<640x64xf32, #tpu.memory_space<vmem_shared>>) target(%dma_start3A_28 : memref<640x64xf32, #tpu.memory_space<hbm>>) target_semaphore(%run_scoped3A : memref<!tpu.dma_semaphore, #tpu.memory_space<semaphore_mem>>)
      %dma_wait3A = arith.constant 0 : i32
      %dma_wait3A_31 = tpu.memref_slice %arg5[%add3A_27, %dma_wait3A] : memref<20480x64xf32, #tpu.memory_space<hbm>> -> memref<640x64xf32, #tpu.memory_space<hbm>>
      %dma_wait3A_32 = arith.constant 0 : i32
      %dma_wait3A_33 = tpu.memref_slice %arg10[%mul3A_9, %dma_wait3A_32] : memref<10240x64xf32, #tpu.memory_space<vmem_shared>> -> memref<640x64xf32, #tpu.memory_space<vmem_shared>>
      tpu.wait_dma2 semaphore(%run_scoped3A : memref<!tpu.dma_semaphore, #tpu.memory_space<semaphore_mem>>) src(%dma_wait3A_33 : memref<640x64xf32, #tpu.memory_space<vmem_shared>>) dst(%dma_wait3A_31 : memref<640x64xf32, #tpu.memory_space<hbm>>)
      tpu.yield
    }) : () -> ()
    return
  }
}

module attributes {stable_mosaic.version = 14 : i64} {
  func.func @body(%arg0: i32, %arg1: memref<1024x128xf32, #tpu.memory_space<vmem>>, %arg2: memref<128x128xf32, #tpu.memory_space<vmem>>, %arg3: memref<1024x1xf32, #tpu.memory_space<vmem>>, %arg4: memref<1024x1xf32, #tpu.memory_space<vmem>>, %arg5: memref<1024x128xf32, #tpu.memory_space<vmem>>, %arg6: memref<1024x1xf32, #tpu.memory_space<vmem>>) attributes {dimension_semantics = [#tpu.dimension_semantics<arbitrary>], iteration_bounds = array<i64: 10>, scalar_prefetch = 0 : i64, scratch_operands = 0 : i64, tpu.core_type = #tpu.core_type<tc>, window_params = [{transform_indices = @transform_0, window_bounds = array<i64: 1024, 128>}, {pipeline_mode = #tpu.pipeline_mode<synchronous>, transform_indices = @transform_1, window_bounds = array<i64: 128, 128>}, {transform_indices = @transform_2, window_bounds = array<i64: 1024, 1>}, {transform_indices = @transform_3, window_bounds = array<i64: 1024, 1>}, {transform_indices = @transform_4, window_bounds = array<i64: 1024, 128>}, {transform_indices = @transform_5, window_bounds = array<i64: 1024, 1>}]} {
    %get3A = arith.constant 0 : index
    %get3A_0 = arith.constant 0 : index
    %get3A_1 = vector.load %arg3[%get3A, %get3A_0] : memref<1024x1xf32, #tpu.memory_space<vmem>>, vector<1024x1xf32>
    %get3A_2 = arith.constant 0 : index
    %get3A_3 = arith.constant 0 : index
    %get3A_4 = vector.load %arg4[%get3A_2, %get3A_3] : memref<1024x1xf32, #tpu.memory_space<vmem>>, vector<1024x1xf32>
    %add3A = arith.addf %get3A_1, %get3A_4 : vector<1024x1xf32>
    %add3A_5 = arith.constant 1.000000e+00 : f32
    %add3A_6 = vector.broadcast %add3A_5 : f32 to vector<1024x1xf32>
    %add3A_7 = arith.addf %add3A, %add3A_6 : vector<1024x1xf32>
    %rsqrt3A = math.rsqrt %add3A_7 : vector<1024x1xf32>
    %swap3A = arith.constant 0 : index
    %swap3A_8 = arith.constant 0 : index
    %swap3A_9 = vector.load %arg6[%swap3A, %swap3A_8] : memref<1024x1xf32, #tpu.memory_space<vmem>>, vector<1024x1xf32>
    tpu.vector_store %arg6[%swap3A, %swap3A_8], %rsqrt3A {strides = array<i32>} : memref<1024x1xf32, #tpu.memory_space<vmem>>, vector<1024x1xf32>,
    %get3A_10 = arith.constant 0 : index
    %get3A_11 = arith.constant 0 : index
    %get3A_12 = vector.load %arg1[%get3A_10, %get3A_11] : memref<1024x128xf32, #tpu.memory_space<vmem>>, vector<1024x128xf32>
    %get3A_13 = arith.constant 0 : index
    %get3A_14 = arith.constant 0 : index
    %get3A_15 = vector.load %arg2[%get3A_13, %get3A_14] : memref<128x128xf32, #tpu.memory_space<vmem>>, vector<128x128xf32>
    %dot_general3A = arith.constant dense<0.000000e+00> : vector<1024x128xf32>
    %dot_general3A_16 = tpu.matmul %get3A_12, %get3A_15, %dot_general3A {dimension_numbers = #tpu.dot_dimension_numbers<[1], [0], [0], [1], [0, 0, 1, 1], [], []>, transpose_lhs_hint = false} : vector<1024x128xf32>, vector<128x128xf32>, vector<1024x128xf32> -> vector<1024x128xf32>
    %mul3A = vector.broadcast %rsqrt3A : vector<1024x1xf32> to vector<1024x128xf32>
    %mul3A_17 = arith.mulf %dot_general3A_16, %mul3A : vector<1024x128xf32>
    %swap3A_18 = arith.constant 0 : index
    %swap3A_19 = arith.constant 0 : index
    %swap3A_20 = vector.load %arg5[%swap3A_18, %swap3A_19] : memref<1024x128xf32, #tpu.memory_space<vmem>>, vector<1024x128xf32>
    tpu.vector_store %arg5[%swap3A_18, %swap3A_19], %mul3A_17 {strides = array<i32>} : memref<1024x128xf32, #tpu.memory_space<vmem>>, vector<1024x128xf32>,
    return
  }
  func.func @transform_0(%arg0: i32) -> (i32, i32) {
    %c0_i32 = arith.constant 0 : i32
    %c0_i32_0 = arith.constant 0 : i32
    return %arg0, %c0_i32 : i32, i32
  }
  func.func @transform_1(%arg0: i32) -> (i32, i32) {
    %c0_i32 = arith.constant 0 : i32
    %c0_i32_0 = arith.constant 0 : i32
    %c0_i32_1 = arith.constant 0 : i32
    return %c0_i32, %c0_i32_0 : i32, i32
  }
  func.func @transform_2(%arg0: i32) -> (i32, i32) {
    %c0_i32 = arith.constant 0 : i32
    %c0_i32_0 = arith.constant 0 : i32
    return %arg0, %c0_i32 : i32, i32
  }
  func.func @transform_3(%arg0: i32) -> (i32, i32) {
    %c0_i32 = arith.constant 0 : i32
    %c0_i32_0 = arith.constant 0 : i32
    return %arg0, %c0_i32 : i32, i32
  }
  func.func @transform_4(%arg0: i32) -> (i32, i32) {
    %c0_i32 = arith.constant 0 : i32
    %c0_i32_0 = arith.constant 0 : i32
    return %arg0, %c0_i32 : i32, i32
  }
  func.func @transform_5(%arg0: i32) -> (i32, i32) {
    %c0_i32 = arith.constant 0 : i32
    %c0_i32_0 = arith.constant 0 : i32
    return %arg0, %c0_i32 : i32, i32
  }
}

module attributes {stable_mosaic.version = 14 : i64} {
  func.func @body(%arg0: i32, %arg1: memref<1024x128xf32, #tpu.memory_space<vmem>>, %arg2: memref<1024x128xf32, #tpu.memory_space<vmem>>, %arg3: memref<1024x128xf32, #tpu.memory_space<vmem>>, %arg4: memref<1024x1xf32, #tpu.memory_space<vmem>>, %arg5: memref<1x128xf32, #tpu.memory_space<vmem>>, %arg6: memref<128x64xf32, #tpu.memory_space<vmem>>, %arg7: memref<1024x64xf32, #tpu.memory_space<vmem>>) attributes {dimension_semantics = [#tpu.dimension_semantics<arbitrary>], iteration_bounds = array<i64: 10>, scalar_prefetch = 0 : i64, scratch_operands = 0 : i64, tpu.core_type = #tpu.core_type<tc>, window_params = [{transform_indices = @transform_0, window_bounds = array<i64: 1024, 128>}, {transform_indices = @transform_1, window_bounds = array<i64: 1024, 128>}, {transform_indices = @transform_2, window_bounds = array<i64: 1024, 128>}, {transform_indices = @transform_3, window_bounds = array<i64: 1024, 1>}, {pipeline_mode = #tpu.pipeline_mode<synchronous>, transform_indices = @transform_4, window_bounds = array<i64: 1, 128>}, {pipeline_mode = #tpu.pipeline_mode<synchronous>, transform_indices = @transform_5, window_bounds = array<i64: 128, 64>}, {transform_indices = @transform_6, window_bounds = array<i64: 1024, 64>}]} {
    %get3A = arith.constant 0 : index
    %get3A_0 = arith.constant 0 : index
    %get3A_1 = vector.load %arg4[%get3A, %get3A_0] : memref<1024x1xf32, #tpu.memory_space<vmem>>, vector<1024x1xf32>
    %get3A_2 = arith.constant 0 : index
    %get3A_3 = arith.constant 0 : index
    %get3A_4 = vector.load %arg1[%get3A_2, %get3A_3] : memref<1024x128xf32, #tpu.memory_space<vmem>>, vector<1024x128xf32>
    %get3A_5 = arith.constant 0 : index
    %get3A_6 = arith.constant 0 : index
    %get3A_7 = vector.load %arg2[%get3A_5, %get3A_6] : memref<1024x128xf32, #tpu.memory_space<vmem>>, vector<1024x128xf32>
    %add3A = arith.addf %get3A_4, %get3A_7 : vector<1024x128xf32>
    %get3A_8 = arith.constant 0 : index
    %get3A_9 = arith.constant 0 : index
    %get3A_10 = vector.load %arg3[%get3A_8, %get3A_9] : memref<1024x128xf32, #tpu.memory_space<vmem>>, vector<1024x128xf32>
    %add3A_11 = arith.addf %add3A, %get3A_10 : vector<1024x128xf32>
    %mul3A = vector.broadcast %get3A_1 : vector<1024x1xf32> to vector<1024x128xf32>
    %mul3A_12 = arith.mulf %add3A_11, %mul3A : vector<1024x128xf32>
    %get3A_13 = arith.constant 0 : index
    %get3A_14 = arith.constant 0 : index
    %get3A_15 = vector.load %arg5[%get3A_13, %get3A_14] : memref<1x128xf32, #tpu.memory_space<vmem>>, vector<1x128xf32>
    %add3A_16 = vector.broadcast %get3A_15 : vector<1x128xf32> to vector<1024x128xf32>
    %add3A_17 = arith.addf %mul3A_12, %add3A_16 : vector<1024x128xf32>
    %max3A = arith.constant 0.000000e+00 : f32
    %max3A_18 = vector.broadcast %max3A : f32 to vector<1024x128xf32>
    %max3A_19 = arith.maximumf %add3A_17, %max3A_18 : vector<1024x128xf32>
    %get3A_20 = arith.constant 0 : index
    %get3A_21 = arith.constant 0 : index
    %get3A_22 = vector.load %arg6[%get3A_20, %get3A_21] : memref<128x64xf32, #tpu.memory_space<vmem>>, vector<128x64xf32>
    %dot_general3A = arith.constant dense<0.000000e+00> : vector<1024x64xf32>
    %dot_general3A_23 = tpu.matmul %max3A_19, %get3A_22, %dot_general3A {dimension_numbers = #tpu.dot_dimension_numbers<[1], [0], [0], [1], [0, 0, 1, 1], [], []>, transpose_lhs_hint = false} : vector<1024x128xf32>, vector<128x64xf32>, vector<1024x64xf32> -> vector<1024x64xf32>
    %mul3A_24 = vector.broadcast %get3A_1 : vector<1024x1xf32> to vector<1024x64xf32>
    %mul3A_25 = arith.mulf %dot_general3A_23, %mul3A_24 : vector<1024x64xf32>
    %swap3A = arith.constant 0 : index
    %swap3A_26 = arith.constant 0 : index
    %swap3A_27 = vector.load %arg7[%swap3A, %swap3A_26] : memref<1024x64xf32, #tpu.memory_space<vmem>>, vector<1024x64xf32>
    tpu.vector_store %arg7[%swap3A, %swap3A_26], %mul3A_25 {strides = array<i32>} : memref<1024x64xf32, #tpu.memory_space<vmem>>, vector<1024x64xf32>,
    return
  }
  func.func @transform_0(%arg0: i32) -> (i32, i32) {
    %c0_i32 = arith.constant 0 : i32
    %c0_i32_0 = arith.constant 0 : i32
    return %arg0, %c0_i32 : i32, i32
  }
  func.func @transform_1(%arg0: i32) -> (i32, i32) {
    %add3A = arith.constant 10 : i32
    %add3A_0 = arith.addi %arg0, %add3A : i32
    %c0_i32 = arith.constant 0 : i32
    %c0_i32_1 = arith.constant 0 : i32
    return %add3A_0, %c0_i32 : i32, i32
  }
  func.func @transform_2(%arg0: i32) -> (i32, i32) {
    %c0_i32 = arith.constant 0 : i32
    %c0_i32_0 = arith.constant 0 : i32
    return %arg0, %c0_i32 : i32, i32
  }
  func.func @transform_3(%arg0: i32) -> (i32, i32) {
    %c0_i32 = arith.constant 0 : i32
    %c0_i32_0 = arith.constant 0 : i32
    return %arg0, %c0_i32 : i32, i32
  }
  func.func @transform_4(%arg0: i32) -> (i32, i32) {
    %c0_i32 = arith.constant 0 : i32
    %c0_i32_0 = arith.constant 0 : i32
    %c0_i32_1 = arith.constant 0 : i32
    return %c0_i32, %c0_i32_0 : i32, i32
  }
  func.func @transform_5(%arg0: i32) -> (i32, i32) {
    %c0_i32 = arith.constant 0 : i32
    %c0_i32_0 = arith.constant 0 : i32
    %c0_i32_1 = arith.constant 0 : i32
    return %c0_i32, %c0_i32_0 : i32, i32
  }
  func.func @transform_6(%arg0: i32) -> (i32, i32) {
    %c0_i32 = arith.constant 0 : i32
    %c0_i32_0 = arith.constant 0 : i32
    return %arg0, %c0_i32 : i32, i32
  }
}

module attributes {stable_mosaic.version = 14 : i64} {
  func.func @body(%arg0: i32, %arg1: memref<1024x64xf32, #tpu.memory_space<vmem>>, %arg2: memref<1024x64xf32, #tpu.memory_space<vmem>>, %arg3: memref<1024x64xf32, #tpu.memory_space<vmem>>, %arg4: memref<1024x1xf32, #tpu.memory_space<vmem>>, %arg5: memref<1x64xf32, #tpu.memory_space<vmem>>, %arg6: memref<1024x64xf32, #tpu.memory_space<vmem>>) attributes {dimension_semantics = [#tpu.dimension_semantics<arbitrary>], iteration_bounds = array<i64: 10>, scalar_prefetch = 0 : i64, scratch_operands = 0 : i64, tpu.core_type = #tpu.core_type<tc>, window_params = [{transform_indices = @transform_0, window_bounds = array<i64: 1024, 64>}, {transform_indices = @transform_1, window_bounds = array<i64: 1024, 64>}, {transform_indices = @transform_2, window_bounds = array<i64: 1024, 64>}, {transform_indices = @transform_3, window_bounds = array<i64: 1024, 1>}, {pipeline_mode = #tpu.pipeline_mode<synchronous>, transform_indices = @transform_4, window_bounds = array<i64: 1, 64>}, {transform_indices = @transform_5, window_bounds = array<i64: 1024, 64>}]} {
    %get3A = arith.constant 0 : index
    %get3A_0 = arith.constant 0 : index
    %get3A_1 = vector.load %arg1[%get3A, %get3A_0] : memref<1024x64xf32, #tpu.memory_space<vmem>>, vector<1024x64xf32>
    %get3A_2 = arith.constant 0 : index
    %get3A_3 = arith.constant 0 : index
    %get3A_4 = vector.load %arg2[%get3A_2, %get3A_3] : memref<1024x64xf32, #tpu.memory_space<vmem>>, vector<1024x64xf32>
    %add3A = arith.addf %get3A_1, %get3A_4 : vector<1024x64xf32>
    %get3A_5 = arith.constant 0 : index
    %get3A_6 = arith.constant 0 : index
    %get3A_7 = vector.load %arg3[%get3A_5, %get3A_6] : memref<1024x64xf32, #tpu.memory_space<vmem>>, vector<1024x64xf32>
    %add3A_8 = arith.addf %add3A, %get3A_7 : vector<1024x64xf32>
    %get3A_9 = arith.constant 0 : index
    %get3A_10 = arith.constant 0 : index
    %get3A_11 = vector.load %arg4[%get3A_9, %get3A_10] : memref<1024x1xf32, #tpu.memory_space<vmem>>, vector<1024x1xf32>
    %mul3A = vector.broadcast %get3A_11 : vector<1024x1xf32> to vector<1024x64xf32>
    %mul3A_12 = arith.mulf %add3A_8, %mul3A : vector<1024x64xf32>
    %get3A_13 = arith.constant 0 : index
    %get3A_14 = arith.constant 0 : index
    %get3A_15 = vector.load %arg5[%get3A_13, %get3A_14] : memref<1x64xf32, #tpu.memory_space<vmem>>, vector<1x64xf32>
    %add3A_16 = vector.broadcast %get3A_15 : vector<1x64xf32> to vector<1024x64xf32>
    %add3A_17 = arith.addf %mul3A_12, %add3A_16 : vector<1024x64xf32>
    %swap3A = arith.constant 0 : index
    %swap3A_18 = arith.constant 0 : index
    %swap3A_19 = vector.load %arg6[%swap3A, %swap3A_18] : memref<1024x64xf32, #tpu.memory_space<vmem>>, vector<1024x64xf32>
    tpu.vector_store %arg6[%swap3A, %swap3A_18], %add3A_17 {strides = array<i32>} : memref<1024x64xf32, #tpu.memory_space<vmem>>, vector<1024x64xf32>,
    return
  }
  func.func @transform_0(%arg0: i32) -> (i32, i32) {
    %c0_i32 = arith.constant 0 : i32
    %c0_i32_0 = arith.constant 0 : i32
    return %arg0, %c0_i32 : i32, i32
  }
  func.func @transform_1(%arg0: i32) -> (i32, i32) {
    %add3A = arith.constant 10 : i32
    %add3A_0 = arith.addi %arg0, %add3A : i32
    %c0_i32 = arith.constant 0 : i32
    %c0_i32_1 = arith.constant 0 : i32
    return %add3A_0, %c0_i32 : i32, i32
  }
  func.func @transform_2(%arg0: i32) -> (i32, i32) {
    %c0_i32 = arith.constant 0 : i32
    %c0_i32_0 = arith.constant 0 : i32
    return %arg0, %c0_i32 : i32, i32
  }
  func.func @transform_3(%arg0: i32) -> (i32, i32) {
    %c0_i32 = arith.constant 0 : i32
    %c0_i32_0 = arith.constant 0 : i32
    return %arg0, %c0_i32 : i32, i32
  }
  func.func @transform_4(%arg0: i32) -> (i32, i32) {
    %c0_i32 = arith.constant 0 : i32
    %c0_i32_0 = arith.constant 0 : i32
    %c0_i32_1 = arith.constant 0 : i32
    return %c0_i32, %c0_i32_0 : i32, i32
  }
  func.func @transform_5(%arg0: i32) -> (i32, i32) {
    %c0_i32 = arith.constant 0 : i32
    %c0_i32_0 = arith.constant 0 : i32
    return %arg0, %c0_i32 : i32, i32
  }
}

</mosaic_0001>

<sc_bundles>
// kernel: kernel.11.cloned.1.call-start
scs
__scs_entry_jumppad:
0x0: {  	(pc) =	sbr.rel $0x88, $3  }
0x1: {  	(tag) =	ssettag $0x0;
	lr =	simm.s32 $0x1  }
0x2: {  	[smem:$0x3F9B] =	sst lr;
	_ =	strace $0xD0000000  }
0x3: {  	_ = 	snop  }
0x4: {  	_ = 	snop  }
0x5: {  	_ = 	snop  }
0x6: {  	_ = 	snop  }
0x7: {  	_ = 	snop  }
__scs_overlays_trampoline_lowered:
0x8: {  	[smem:$0x3FAA] =	sst s0  }
0x9: {  	[smem:$0x3FAB] =	sst s1  }
0xa: {  	[smem:$0x3FAC] =	sst s2  }
0xb: {  	[smem:$0x3FAD] =	sst s3  }
0xc: {  	[smem:$0x3FAE] =	sst s4  }
0xd: {  	[smem:$0x3FAF] =	sst s5  }
0xe: {  	[smem:$0x3FB0] =	sst s6  }
0xf: {  	[smem:$0x3FB1] =	sst s7  }
0x10: {  	[smem:$0x3FB2] =	sst s8  }
0x11: {  	[smem:$0x3FB3] =	sst s9;
	s0 =	simm.s32 @!p0 $0x0  }
0x12: {  	s1 =	sld [smem:$0x3F99];
	s0 =	simm.s32 @p0 $0x1  }
0x13: {  	[smem:$0x3FB4] =	sst s0;
	s0 =	simm.s32 @!p1 $0x0  }
0x14: {  	s2 =	sld [smem:$0x3F98];
	s0 =	simm.s32 @p1 $0x1  }
0x15: {  	[smem:$0x3FB5] =	sst s0;
	s0 =	simm.s32 @!p2 $0x0  }
0x16: {  	s3 =	sld [smem:$0x3FDB];
	s0 =	simm.s32 @p2 $0x1  }
0x17: {  	s4 =	simm.s32 $0x1BF5;
	[smem:$0x3FB7] =	sst s0  }
0x18: {  	s0 =	sld [smem:$0x3F9A];
	_ =	swait.ge [sflag:s4], $0x0  }
0x19: {  	s7 =	sld [smem:$0x3F9B]  }
0x1a: {  	s8 =	sadd.s32 $0xFFFFE003, lr  }
0x1b: {  	s9 =	sadd.s32 $0xFFFFFEF7, lr;
	s5 =	simm.s32 $0xFFFFFFFF;
	p2 =	slt.u32 s8, $0xFFFFF086  }
0x1c: {  	p1 =	slt.u32 s9, $0xF7A;
	s5 =	simm.s32 @!p2 $0x0  }
0x1d: {  	s5 =	simm.s32 @p1 $0x1;
	p0 =	seq.s32 s7, s2  }
0x1e: {  	s7 =	smul.u32 @!p0 $0xF7A, s2;
	p2 =	seq.s32 @!p0 s5, $0x0  }
0x1f: {  	s9 =	smul.u32 $0xF7A, s1;
	s8 =	simm.s32 @!p0 $0x1BF5;
	p2 =	por !p2, p0  }
0x20: {  	[sflag:s8] =	ssyncset.s32 @!p0 $0xFFFFF086;
	s6 =	sadd.s32 @!p0 s3, s7;
	s7 =	simm.s32 @!p0 $0x108  }
0x21: {  	s3 =	sadd.s32 s3, s9;
	s6 =	sadd.s32 @!p0 $0x88, s6;
	s7 =	simm.s32 @p2 $0x1082  }
0x22: {  	[simem:s7], [sflag:s8] =	dma.local @!p0 [hbm:s6], $0xF7A  }
0x23: {  	s9 =	sor.u32 $0xD0000000, s2;
	s6 =	simm.s32 $0x108;
	_ =	swait.ge @!p0 [sflag:s8], $0x0  }
0x24: {  	s3 =	sadd.s32 $0x88, s3;
	s6 =	simm.s32 @!p1 $0x1082;
	[sflag:s4] =	ssyncset.s32 $0xFFFFF086  }
0x25: {  	[simem:s6], [sflag:s4] =	dma.local [hbm:s3], $0xF7A  }
0x26: {  	[smem:$0x3F9B] =	sst s1;
	(tag) =	ssettag s2;
	_ =	strace s9  }
0x27: {  	s1 =	sld [smem:$0x3FAB]  }
0x28: {  	s2 =	sld [smem:$0x3FAC]  }
0x29: {  	s4 =	sld [smem:$0x3FAE]  }
0x2a: {  	p0 =	seq.s32 s5, $0x0;
	s5 =	sld [smem:$0x3FAF]  }
0x2b: {  	s6 =	sld [smem:$0x3FB0]  }
0x2c: {  	s7 =	sld [smem:$0x3FB1]  }
0x2d: {  	s3 =	simm.s32 $0x108;
	s8 =	sld [smem:$0x3FB2]  }
0x2e: {  	s3 =	simm.s32 @!p0 $0x1082;
	s9 =	sld [smem:$0x3FB3]  }
0x2f: {  	lr =	sadd.s32 s0, s3;
	s0 =	sld [smem:$0x3FAA]  }
0x30: {  	s3 =	sld [smem:$0x3FAD]  }
0x31: {  	[smem:$0x3FB6] =	sst s10  }
0x32: {  	s10 =	sld [smem:$0x3FB4];
	_ =	sdelay $0x3  }
0x33: {  	p0 =	seq.s32 s10, $0x1;
	s10 =	sld [smem:$0x3FB6];
	_ =	sdelay $0x3  }
0x34: {  	[smem:$0x3FB6] =	sst s10  }
0x35: {  	s10 =	sld [smem:$0x3FB5];
	_ =	sdelay $0x3  }
0x36: {  	p1 =	seq.s32 s10, $0x1;
	s10 =	sld [smem:$0x3FB6];
	_ =	sdelay $0x3  }
0x37: {  	[smem:$0x3FB6] =	sst s10  }
0x38: {  	s10 =	sld [smem:$0x3FB7]  }
0x39: {  	_ = 	snop;
	(pc) =	sbr.ind lr, $3  }
0x3a: {  	_ = 	snop  }
0x3b: {  	_ = 	snop  }
0x3c: {  	p2 =	seq.s32 s10, $0x1;
	s10 =	sld [smem:$0x3FB6]  }
0x3d: {  	_ =	shalt  }
0x3e: {  	_ =	shalt  }
0x3f: {  	_ =	shalt  }
0x40: {  	_ =	shalt  }
0x41: {  	_ =	shalt  }
0x42: {  	_ =	shalt  }
0x43: {  	_ =	shalt  }
0x44: {  	_ =	shalt  }
0x45: {  	_ =	shalt  }
0x46: {  	_ =	shalt  }
0x47: {  	_ =	shalt  }
0x48: {  	_ =	shalt  }
0x49: {  	_ =	shalt  }
0x4a: {  	_ =	shalt  }
0x4b: {  	_ =	shalt  }
0x4c: {  	_ =	shalt  }
0x4d: {  	_ =	shalt  }
0x4e: {  	_ =	shalt  }
0x4f: {  	_ =	shalt  }
0x50: {  	_ =	shalt  }
0x51: {  	_ =	shalt  }
0x52: {  	_ =	shalt  }
0x53: {  	_ =	shalt  }
0x54: {  	_ =	shalt  }
0x55: {  	_ =	shalt  }
0x56: {  	_ =	shalt  }
0x57: {  	_ =	shalt  }
0x58: {  	_ =	shalt  }
0x59: {  	_ =	shalt  }
0x5a: {  	_ =	shalt  }
0x5b: {  	_ =	shalt  }
0x5c: {  	_ =	shalt  }
0x5d: {  	_ =	shalt  }
0x5e: {  	_ =	shalt  }
0x5f: {  	_ =	shalt  }
0x60: {  	_ =	shalt  }
0x61: {  	_ =	shalt  }
0x62: {  	_ =	shalt  }
0x63: {  	_ =	shalt  }
0x64: {  	_ =	shalt  }
0x65: {  	_ =	shalt  }
0x66: {  	_ =	shalt  }
0x67: {  	_ =	shalt  }
0x68: {  	_ =	shalt  }
0x69: {  	_ =	shalt  }
0x6a: {  	_ =	shalt  }
0x6b: {  	_ =	shalt  }
0x6c: {  	_ =	shalt  }
0x6d: {  	_ =	shalt  }
0x6e: {  	_ =	shalt  }
0x6f: {  	_ =	shalt  }
0x70: {  	_ =	shalt  }
0x71: {  	_ =	shalt  }
0x72: {  	_ =	shalt  }
0x73: {  	_ =	shalt  }
0x74: {  	_ =	shalt  }
0x75: {  	_ =	shalt  }
0x76: {  	_ =	shalt  }
0x77: {  	_ =	shalt  }
0x78: {  	_ =	shalt  }
0x79: {  	_ =	shalt  }
0x7a: {  	_ =	shalt  }
0x7b: {  	_ =	shalt  }
0x7c: {  	_ =	shalt  }
0x7d: {  	_ =	shalt  }
0x7e: {  	_ =	shalt  }
0x7f: {  	_ =	shalt  }
0x80: {  	_ =	shalt  }
0x81: {  	_ =	shalt  }
0x82: {  	_ =	shalt  }
0x83: {  	_ =	shalt  }
0x84: {  	_ =	shalt  }
0x85: {  	_ =	shalt  }
0x86: {  	_ =	shalt  }
0x87: {  	_ =	shalt  }
.Lfunc_end0:
.L_simem_size_0:
called_computation.1_lowered:
.L_overlay_start_0:
0x88: {  	s2 =	sld [smem:$0x3FD9]  }
0x89: {  	s3 =	sld [smem:$0x3FFE];
	_ =	sdelay $0x1  }
0x8a: {  	s1 =	srdreg.scid  }
0x8b: {  	s0 =	sand.u32 $0x1, s1  }
0x8c: {  	s17 =	sshll.u32 s0, $0xA;
	s2 =	sadd.s32 s3, s2  }
0x8d: {  	s2 =	sadd.s32 s2, s17  }
0x8e: {  	[smem:$0x3FC2] =	sst s2  }
0x8f: {  	_ = 	snop  }
0x90: {  	s2 =	sld [smem:$0x3FD0];
	(tm) =	ssettm $0x1  }
0x91: {  	s18 =	sld [smem:$0x3FFB];
	_ =	sdelay $0x3  }
0x92: {  	_ =	strace s18  }
0x93: {  	s3 =	sld [smem:$0x3FFC];
	_ =	sdelay $0x3  }
0x94: {  	_ =	strace s3  }
0x95: {  	s3 =	sld [smem:$0x3FFD];
	_ =	sdelay $0x3  }
0x96: {  	_ =	strace s3  }
0x97: {  	_ =	strace $0x8FFFFFFF  }
0x98: {  	s19 =	sld [smem:$0x3FDB];
	_ =	sdelay $0x1  }
0x99: {  	s4 =	simm.s32 $_scs_section_size  }
0x9a: {  	s5 =	simm.s32 $_size__tile_overlayer_lowered;
	s6 =	simm.s32 $_tile_overlayer_lowered  }
0x9b: {  	s22 =	simm.s32 $0x1BFF;
	s21 =	sshll.u32 s6, $0x1;
	s3 =	sadd.s32 s4, s19  }
0x9c: {  	s7 =	simm.s32 $0x0;
	s20 =	sshll.u32 s5, $0x1;
	s5 =	sadd.s32 s21, s3  }
0x9d: {  	[timem:s7], [sflag:s22] =	dma.local [hbm:s5], s20  }
0x9e: {  	_ =	swait.ge [sflag:s22], s20  }
0x9f: {  	s4 =	ssub.s32 $0x0, s20;
	[sflag:s22] =	ssyncset.done $0x0  }
0xa0: {  	[sflag:s22] =	ssyncadd.s32 s4;
	_ =	sdelay $0x1  }
0xa1: {  	s23 =	simm.s32 $0x1B8B  }
0xa2: {  	_ =	swait.ge [sflag:s23], $0x1  }
0xa3: {  	[sflag:s23] =	ssyncset.done $0x0  }
0xa4: {  	s25 =	simm.s32 $0x1B8E;
	s24 =	sld [smem:$0x3FFE];
	[sflag:s23] =	ssyncadd.s32 $0xFFFFFFFF  }
0xa5: {  	s26 =	simm.s32 $execute0_lowered;
	[smem:$0x3FD2] =	sst s25  }
0xa6: {  	s5 =	sshll.u32 s26, $0x1;
	_ =	strace $0x80000049;
	[dreg:$0x1] =	wrdreg $0xFFFFFFFF  }
0xa7: {  	s28 =	simm.s32 $_size_execute0_lowered;
	s3 =	sadd.s32 s3, s5;
	[dreg:$0x0] =	wrdreg $0x0  }
0xa8: {  	s5 =	sshll.u32 s28, $0x1;
	[dreg:$0x2] =	wrdreg s3  }
0xa9: {  	[dreg:$0x3] =	wrdreg s5  }
0xaa: {  	[dreg:$0x4] =	wrdreg $0xC0  }
0xab: {  	_ =	task [dreg:s7], $0x5FFFF  }
0xac: {  	[dreg:$0x1] =	wrdreg $0xFFFFFFFF  }
0xad: {  	[dreg:$0x0] =	wrdreg $0x60  }
0xae: {  	[dreg:$0x2] =	wrdreg s2  }
0xaf: {  	[dreg:$0x3] =	wrdreg s24  }
0xb0: {  	[dreg:$0x4] =	wrdreg $0x49000  }
0xb1: {  	[dreg:$0x5] =	wrdreg $0x9  }
0xb2: {  	_ =	task.clear_ibuf [dreg:s7], $0x6FFFF;
	_ =	strace $0x90000049  }
0xb3: {  	s29 =	simm.s32 $0x9;
	_ =	strace $0x8000004B  }
0xb4: {  	_ =	swait.ge [sflag:s29], $0x1  }
0xb5: {  	[sflag:s29] =	ssyncadd.s32 $0xFFFFFFFF  }
0xb6: {  	_ =	strace $0x9000004B  }
0xb7: {  	_ =	sfence  }
0xb8: {  	s30 =	sld [smem:$0x0];
	_ =	sdelay $0x2  }
0xb9: {  	s31 =	sshll.u32 s1, $0xD;
	s1 =	sshrl.u32 s1, $0x2  }
0xba: {  	s3 =	sand.u32 $0x4000, s31;
	s1 =	sadd.s32 s1, s30  }
0xbb: {  	s0 =	sor.u32 s3, s0;
	s1 =	sshll.u32 s1, $0x11  }
0xbc: {  	s0 =	sor.u32 s1, s0  }
0xbd: {  	s0 =	sadd.s32 $0x8F2B, s0  }
0xbe: {  	[sflag:s0] =	ssyncadd.remote.s32 $0x1  }
0xbf: {  	_ =	sfence.sel $0xFFFF  }
0xc0: {  	[dreg:$0x0] =	wrdreg $0xFFFFFFFF;
	(pc) =	sbr.abs _section_cstart, $3  }
0xc1: {  	[dreg:$0x1] =	wrdreg $0xFFFFFFFF  }
0xc2: {  	_ =	task.clear_ibuf [dreg:s7], $0x2FFFF;
	_ =	strace $0x9FFFFFFF  }
0xc3: {  	(tm) =	ssettm $0x7FFFFFFF  }
tec
execute0_lowered:
.L_overlay_start_1:
0x0: {  	(tag) =	ssettag $0x1  }
0x1: {  	s9 =	rddreg [dreg:$0x0]  }
0x2: {  	s5 =	rddreg [dreg:$0x1]  }
0x3: {  	s0 =	srdreg.scid;
	s2 =	rddreg [dreg:$0x2]  }
0x4: {  	s1 =	rddreg [dreg:$0x3];
	s6 =	sand.u32 $0x1, s0  }
0x5: {  	s3 =	simm.s32 $0x0;
	s0 =	stileid.u32;
	s4 =	smul.u32 $0x27800, s6  }
0x6: {  	s13 =	simm.s32 $0x100;
	s14 =	simm.s32 $0x1;
	s7 =	smul.u32 $0x2780, s0  }
0x7: {  	s17 =	simm.s32 $0x0;
	[smem:$0x7FF] =	sst s3;
	s28 =	smul.u32 $0x2800, s0  }
0x8: {  	s8 =	smul.u32 $0x28000, s6;
	_ =	strace $0x8000004A;
	s6 =	ssub.s32 $0x2, s6  }
0x9: {  	s12 =	smul.u32 $0x50000, s0;
	s15 =	sshll.u32 s0, $0x6;
	s29 =	sshrl.u32 s6, $0x1  }
0xa: {  	s15 =	sor.u32 $0x1C02, s15;
	s4 =	sadd.s32 s7, s4;
	s7 =	sadd.s32 s28, s8  }
0xb: {  	s30 =	sshrl.u32 s12, $0x2;
	s31 =	ssub.s32 s6, s29;
	s12 =	simm.s32 $0x80  }
0xc: {  	s10 =	sshrl.u32 s4, $0x3;
	s4 =	sadd.s32 $0xB400, s5;
	s7 =	sadd.s32 s7, s5  }
0xd: {  	s11 =	sadd.s32 s10, s5;
	s5 =	sadd.s32 s30, s2;
	s6 =	sadd.s32 $0x33400, s7  }
0xe: {  	s7 =	smax.u32 s31, $0x1;
	s9 =	sadd.s32 s10, s9;
	s10 =	simm.s32 $0x4100  }
0xf: {  	v0 =	vimm.f32 $0.0e+00;
	s8 =	sadd.s32 $0x1600, s11;
	s11 =	simm.s32 $0x2;
	s16 =	sshrl.u32 s5, $0x3  }
.LBB2_1:
0x10: {  	s18 =	simm.s32 $0x0;
	s19 =	simm.s32 $0x200  }
.LBB2_2:
0x11: {  	p0 =	sne.s32 s19, $0x1E00;
	[tilespmem:s18+$0x4170] =	vst v0  }
0x12: {  	[tilespmem:s18+$0x4100] =	vst v0  }
0x13: {  	[tilespmem:s18+$0x4110] =	vst v0  }
.Ltmp0:
0x14: {  	[tilespmem:s18+$0x4120] =	vst v0;
	(pc) =	sbr.rel @p0 .LBB2_2-.Ltmp0, $4  }
0x15: {  	[tilespmem:s18+$0x4130] =	vst v0  }
0x16: {  	[tilespmem:s18+$0x4140] =	vst v0  }
0x17: {  	[tilespmem:s18+$0x4150] =	vst v0  }
0x18: {  	[tilespmem:s18+$0x4160] =	vst v0;
	s18 =	sshra.s32 s19, $0x2;
	s19 =	sadd.s32 $0x200, s19  }
0x19: {  	[tilespmem:s18+$0x4170] =	vst v0  }
0x1a: {  	[tilespmem:s18+$0x4100] =	vst v0  }
0x1b: {  	[tilespmem:s18+$0x4110] =	vst v0  }
0x1c: {  	[tilespmem:s18+$0x4120] =	vst v0  }
0x1d: {  	[tilespmem:s18+$0x4130] =	vst v0  }
0x1e: {  	[tilespmem:s18+$0x4140] =	vst v0  }
0x1f: {  	[tilespmem:s18+$0x4150] =	vst v0  }
0x20: {  	[tilespmem:s18+$0x4160] =	vst v0;
	s31 =	sadd.s32 $0x0, s5  }
0x21: {  	[spmem:s31] =	stream.linear.scatter [tilespmem:s10], [sflag:$0x2], $0x800, $0x38;
	[tilespmem:$0x18900] =	vst v63  }
0x22: {  	s18 =	simm.s32 $0x2000;
	_ =	swait.ge [sflag:s11], $0x800  }
.LBB2_4:
0x23: {  	s19 =	sshra.s32 s18, $0x2;
	[sflag:s11] =	ssyncset.done $0x0;
	p0 =	sne.s32 s18, $0x4E000  }
.Ltmp1:
0x24: {  	s19 =	sadd.s32 s19, s5;
	[sflag:s11] =	ssyncadd.s32 $0xFFFFF800;
	(pc) =	sbr.rel @p0 .LBB2_4-.Ltmp1, $3  }
0x25: {  	[spmem:s19] =	stream.linear.scatter [tilespmem:s10], [sflag:$0x2], $0x800, $0x38;
	[tilespmem:$0x18900] =	vst v63  }
0x26: {  	s18 =	sadd.s32 $0x2000, s18;
	_ =	sdelay $0x1  }
0x27: {  	_ =	swait.ge [sflag:s11], $0x800  }
0x28: {  	[sflag:s11] =	ssyncset.done $0x0  }
0x29: {  	[sflag:s11] =	ssyncadd.s32 $0xFFFFF800  }
0x2a: {  	s18 =	sadd.s32 $0x0, s9;
	[bflag:$0x0] =	sbarrier.arrive $0xFFFF  }
0x2b: {  	[tilespmem:s3], [sflag:$0x2] =	stream.linear.gather [hbm4b:s18+s3], $0x80, $0x38;
	[tilespmem:$0x18900] =	vst v63  }
0x2c: {  	_ =	swait.ge [sflag:s11], $0x80  }
0x2d: {  	[sflag:s11] =	ssyncset.done $0x0  }
0x2e: {  	s31 =	sadd.s32 $0x0, s8;
	[sflag:s11] =	ssyncadd.s32 $0xFFFFFF80  }
0x2f: {  	[tilespmem:s12], [sflag:$0x2] =	stream.linear.gather [hbm4b:s31+s3], $0x80, $0x38;
	[tilespmem:$0x18900] =	vst v63  }
0x30: {  	_ =	swait.ge [sflag:s11], $0x80  }
0x31: {  	[sflag:s11] =	ssyncset.done $0x0  }
0x32: {  	[sflag:s11] =	ssyncadd.s32 $0xFFFFFF80  }
0x33: {  	[tilespmem:s13], [sflag:$0x1] =	stream.indirect.gather [hbm4b:s4+s12], $0x80, s3, s12, $0xb8;
	[tilespmem:$0x18900] =	vst v63  }
0x34: {  	_ =	swait.ge [sflag:s14], $0x4000  }
0x35: {  	[sflag:s14] =	ssyncset.done $0x0  }
0x36: {  	[sflag:s14] =	ssyncadd.s32 $0xFFFFC000  }
0x37: {  	[spmem:s2] =	stream.indirect.scatter.add.f32 [tilespmem:s13], [sflag:$0x2], $0x80, s12, s12, $0xb8;
	[tilespmem:$0x18900] =	vst v63  }
0x38: {  	_ =	swait.ge [sflag:s11], $0x4000  }
0x39: {  	s19 =	simm.s32 $0x20;
	s18 =	simm.s32 $0x10;
	[sflag:s11] =	ssyncset.done $0x0  }
.LBB2_6:
0x3a: {  	s20 =	sadd.s32 s18, s9  }
0x3b: {  	[sflag:s11] =	ssyncadd.s32 $0xFFFFC000;
	s21 =	smov.u32 s19;
	s22 =	sadd.s32 $0x10, s19  }
0x3c: {  	[tilespmem:s3], [sflag:$0x2] =	stream.linear.gather [hbm4b:s20+s3], $0x80, $0x38;
	[tilespmem:$0x18900] =	vst v63  }
0x3d: {  	p0 =	sne.s32 s19, $0x4E0;
	_ =	swait.ge [sflag:s11], $0x80  }
0x3e: {  	[sflag:s11] =	ssyncset.done $0x0  }
0x3f: {  	s19 =	sadd.s32 s18, s8;
	s18 =	smov.u32 s21;
	[sflag:s11] =	ssyncadd.s32 $0xFFFFFF80  }
0x40: {  	[tilespmem:s12], [sflag:$0x2] =	stream.linear.gather [hbm4b:s19+s3], $0x80, $0x38;
	[tilespmem:$0x18900] =	vst v63  }
0x41: {  	_ =	swait.ge [sflag:s11], $0x80  }
0x42: {  	[sflag:s11] =	ssyncset.done $0x0  }
0x43: {  	[sflag:s11] =	ssyncadd.s32 $0xFFFFFF80  }
0x44: {  	[tilespmem:s13], [sflag:$0x1] =	stream.indirect.gather [hbm4b:s4+s12], $0x80, s3, s12, $0xb8;
	[tilespmem:$0x18900] =	vst v63  }
0x45: {  	_ =	swait.ge [sflag:s14], $0x4000  }
.Ltmp2:
0x46: {  	[sflag:s14] =	ssyncset.done $0x0;
	(pc) =	sbr.rel @p0 .LBB2_6-.Ltmp2, $4  }
0x47: {  	[sflag:s14] =	ssyncadd.s32 $0xFFFFC000  }
0x48: {  	[spmem:s2] =	stream.indirect.scatter.add.f32 [tilespmem:s13], [sflag:$0x2], $0x80, s12, s12, $0xb8;
	[tilespmem:$0x18900] =	vst v63  }
0x49: {  	_ =	swait.ge [sflag:s11], $0x4000  }
0x4a: {  	s19 =	smov.u32 s22;
	[sflag:s11] =	ssyncset.done $0x0  }
0x4b: {  	s19 =	sadd.s32 s18, s9;
	[sflag:s11] =	ssyncadd.s32 $0xFFFFC000  }
0x4c: {  	[tilespmem:s3], [sflag:$0x2] =	stream.linear.gather [hbm4b:s19+s3], $0x80, $0x38;
	[tilespmem:$0x18900] =	vst v63  }
0x4d: {  	_ =	swait.ge [sflag:s11], $0x80  }
0x4e: {  	[sflag:s11] =	ssyncset.done $0x0  }
0x4f: {  	s31 =	sadd.s32 s18, s8;
	[sflag:s11] =	ssyncadd.s32 $0xFFFFFF80  }
0x50: {  	[tilespmem:s12], [sflag:$0x2] =	stream.linear.gather [hbm4b:s31+s3], $0x80, $0x38;
	[tilespmem:$0x18900] =	vst v63  }
0x51: {  	_ =	swait.ge [sflag:s11], $0x80  }
0x52: {  	[sflag:s11] =	ssyncset.done $0x0  }
0x53: {  	[sflag:s11] =	ssyncadd.s32 $0xFFFFFF80  }
0x54: {  	[tilespmem:s13], [sflag:$0x1] =	stream.indirect.gather [hbm4b:s4+s12], $0x80, s3, s12, $0xb8;
	[tilespmem:$0x18900] =	vst v63  }
0x55: {  	_ =	swait.ge [sflag:s14], $0x4000  }
0x56: {  	[sflag:s14] =	ssyncset.done $0x0  }
0x57: {  	[sflag:s14] =	ssyncadd.s32 $0xFFFFC000  }
0x58: {  	[spmem:s2] =	stream.indirect.scatter.add.f32 [tilespmem:s13], [sflag:$0x2], $0x80, s12, s12, $0xb8;
	[tilespmem:$0x18900] =	vst v63  }
0x59: {  	_ =	swait.ge [sflag:s11], $0x4000  }
0x5a: {  	s17 =	sadd.s32 $0x1, s17;
	[sflag:s11] =	ssyncset.done $0x0  }
0x5b: {  	p0 =	sne.s32 s17, s7;
	[sflag:s11] =	ssyncadd.s32 $0xFFFFC000  }
.Ltmp3:
0x5c: {  	[bflag:$0x0] =	sbarrier.arrive $0xFFFF;
	(pc) =	sbr.rel @p0 .LBB2_1-.Ltmp3, $4  }
0x5d: {  	[hbm:s6], [sflag:s15] =	dma.local [spmem:s16], $0x2800  }
0x5e: {  	_ =	swait.ge [sflag:s11], $0x2800  }
0x5f: {  	[sflag:s11] =	ssyncset.done $0x0  }
0x60: {  	[sflag:s11] =	ssyncadd.s32 $0xFFFFD800  }
0x61: {  	_ =	sfence.sel $0x180000  }
0x62: {  	[bflag:$0x0] =	sbarrier.arrive $0xFFFF  }
0x63: {  	p0 =	sne.s32 s0, $0x0;
	_ =	strace $0x9000004A  }
0x64: {  	s0 =	sadd.s32 @!p0 $0x100000, s1;
	[bflag:$0x2] =	sbarrier.arrive $0xFFFF  }
0x65: {  	[sflag:s0] =	ssyncadd.tile.s32 @!p0 $0x1;
	_ =	shalt  }
.Lfunc_end2:
_tile_overlayer_lowered:
.L_overlay_start_2:
0x66: {  	(tag) =	ssettag $0x2  }
0x67: {  	s0 =	rddreg [dreg:$0x0];
	s2 =	stileid.u32  }
0x68: {  	s1 =	rddreg [dreg:$0x1];
	p0 =	sne.s32 s2, $0x0  }
0x69: {  	s3 =	rddreg [dreg:$0x2];
	[bflag:$0x3] =	sbarrier.arrive $0xFFFF;
	s2 =	simm.s32 @!p0 $0x1C02  }
0x6a: {  	[timem:s3], [sflag:s2] =	dma.local @!p0 [hbm:s0], s1  }
0x6b: {  	s0 =	simm.s32 @!p0 $0x2  }
0x6c: {  	_ =	swait.ge @!p0 [sflag:s0], s1  }
0x6d: {  	s1 =	ssub.s32 @!p0 $0x0, s1;
	[sflag:s0] =	ssyncset.done @!p0 $0x0  }
0x6e: {  	[sflag:s0] =	ssyncadd.s32 @!p0 s1  }
0x6f: {  	[bflag:$0x3] =	sbarrier.arrive $0xFFFF  }
0x70: {  	_ =	shalt  }

// kernel: kernel.14.cloned.1.call-start
scs
__scs_entry_jumppad:
0x0: {  	(pc) =	sbr.rel $0x88, $3  }
0x1: {  	(tag) =	ssettag $0x0;
	lr =	simm.s32 $0x1  }
0x2: {  	[smem:$0x3F9B] =	sst lr;
	_ =	strace $0xD0000000  }
0x3: {  	_ = 	snop  }
0x4: {  	_ = 	snop  }
0x5: {  	_ = 	snop  }
0x6: {  	_ = 	snop  }
0x7: {  	_ = 	snop  }
__scs_overlays_trampoline_lowered:
0x8: {  	[smem:$0x3FAA] =	sst s0  }
0x9: {  	[smem:$0x3FAB] =	sst s1  }
0xa: {  	[smem:$0x3FAC] =	sst s2  }
0xb: {  	[smem:$0x3FAD] =	sst s3  }
0xc: {  	[smem:$0x3FAE] =	sst s4  }
0xd: {  	[smem:$0x3FAF] =	sst s5  }
0xe: {  	[smem:$0x3FB0] =	sst s6  }
0xf: {  	[smem:$0x3FB1] =	sst s7  }
0x10: {  	[smem:$0x3FB2] =	sst s8  }
0x11: {  	[smem:$0x3FB3] =	sst s9;
	s0 =	simm.s32 @!p0 $0x0  }
0x12: {  	s1 =	sld [smem:$0x3F99];
	s0 =	simm.s32 @p0 $0x1  }
0x13: {  	[smem:$0x3FB4] =	sst s0;
	s0 =	simm.s32 @!p1 $0x0  }
0x14: {  	s2 =	sld [smem:$0x3F98];
	s0 =	simm.s32 @p1 $0x1  }
0x15: {  	[smem:$0x3FB5] =	sst s0;
	s0 =	simm.s32 @!p2 $0x0  }
0x16: {  	s3 =	sld [smem:$0x3FDB];
	s0 =	simm.s32 @p2 $0x1  }
0x17: {  	s4 =	simm.s32 $0x1BF5;
	[smem:$0x3FB7] =	sst s0  }
0x18: {  	s0 =	sld [smem:$0x3F9A];
	_ =	swait.ge [sflag:s4], $0x0  }
0x19: {  	s7 =	sld [smem:$0x3F9B]  }
0x1a: {  	s8 =	sadd.s32 $0xFFFFE003, lr  }
0x1b: {  	s9 =	sadd.s32 $0xFFFFFEF7, lr;
	s5 =	simm.s32 $0xFFFFFFFF;
	p2 =	slt.u32 s8, $0xFFFFF086  }
0x1c: {  	p1 =	slt.u32 s9, $0xF7A;
	s5 =	simm.s32 @!p2 $0x0  }
0x1d: {  	s5 =	simm.s32 @p1 $0x1;
	p0 =	seq.s32 s7, s2  }
0x1e: {  	s7 =	smul.u32 @!p0 $0xF7A, s2;
	p2 =	seq.s32 @!p0 s5, $0x0  }
0x1f: {  	s9 =	smul.u32 $0xF7A, s1;
	s8 =	simm.s32 @!p0 $0x1BF5;
	p2 =	por !p2, p0  }
0x20: {  	[sflag:s8] =	ssyncset.s32 @!p0 $0xFFFFF086;
	s6 =	sadd.s32 @!p0 s3, s7;
	s7 =	simm.s32 @!p0 $0x108  }
0x21: {  	s3 =	sadd.s32 s3, s9;
	s6 =	sadd.s32 @!p0 $0x88, s6;
	s7 =	simm.s32 @p2 $0x1082  }
0x22: {  	[simem:s7], [sflag:s8] =	dma.local @!p0 [hbm:s6], $0xF7A  }
0x23: {  	s9 =	sor.u32 $0xD0000000, s2;
	s6 =	simm.s32 $0x108;
	_ =	swait.ge @!p0 [sflag:s8], $0x0  }
0x24: {  	s3 =	sadd.s32 $0x88, s3;
	s6 =	simm.s32 @!p1 $0x1082;
	[sflag:s4] =	ssyncset.s32 $0xFFFFF086  }
0x25: {  	[simem:s6], [sflag:s4] =	dma.local [hbm:s3], $0xF7A  }
0x26: {  	[smem:$0x3F9B] =	sst s1;
	(tag) =	ssettag s2;
	_ =	strace s9  }
0x27: {  	s1 =	sld [smem:$0x3FAB]  }
0x28: {  	s2 =	sld [smem:$0x3FAC]  }
0x29: {  	s4 =	sld [smem:$0x3FAE]  }
0x2a: {  	p0 =	seq.s32 s5, $0x0;
	s5 =	sld [smem:$0x3FAF]  }
0x2b: {  	s6 =	sld [smem:$0x3FB0]  }
0x2c: {  	s7 =	sld [smem:$0x3FB1]  }
0x2d: {  	s3 =	simm.s32 $0x108;
	s8 =	sld [smem:$0x3FB2]  }
0x2e: {  	s3 =	simm.s32 @!p0 $0x1082;
	s9 =	sld [smem:$0x3FB3]  }
0x2f: {  	lr =	sadd.s32 s0, s3;
	s0 =	sld [smem:$0x3FAA]  }
0x30: {  	s3 =	sld [smem:$0x3FAD]  }
0x31: {  	[smem:$0x3FB6] =	sst s10  }
0x32: {  	s10 =	sld [smem:$0x3FB4];
	_ =	sdelay $0x3  }
0x33: {  	p0 =	seq.s32 s10, $0x1;
	s10 =	sld [smem:$0x3FB6];
	_ =	sdelay $0x3  }
0x34: {  	[smem:$0x3FB6] =	sst s10  }
0x35: {  	s10 =	sld [smem:$0x3FB5];
	_ =	sdelay $0x3  }
0x36: {  	p1 =	seq.s32 s10, $0x1;
	s10 =	sld [smem:$0x3FB6];
	_ =	sdelay $0x3  }
0x37: {  	[smem:$0x3FB6] =	sst s10  }
0x38: {  	s10 =	sld [smem:$0x3FB7]  }
0x39: {  	_ = 	snop;
	(pc) =	sbr.ind lr, $3  }
0x3a: {  	_ = 	snop  }
0x3b: {  	_ = 	snop  }
0x3c: {  	p2 =	seq.s32 s10, $0x1;
	s10 =	sld [smem:$0x3FB6]  }
0x3d: {  	_ =	shalt  }
0x3e: {  	_ =	shalt  }
0x3f: {  	_ =	shalt  }
0x40: {  	_ =	shalt  }
0x41: {  	_ =	shalt  }
0x42: {  	_ =	shalt  }
0x43: {  	_ =	shalt  }
0x44: {  	_ =	shalt  }
0x45: {  	_ =	shalt  }
0x46: {  	_ =	shalt  }
0x47: {  	_ =	shalt  }
0x48: {  	_ =	shalt  }
0x49: {  	_ =	shalt  }
0x4a: {  	_ =	shalt  }
0x4b: {  	_ =	shalt  }
0x4c: {  	_ =	shalt  }
0x4d: {  	_ =	shalt  }
0x4e: {  	_ =	shalt  }
0x4f: {  	_ =	shalt  }
0x50: {  	_ =	shalt  }
0x51: {  	_ =	shalt  }
0x52: {  	_ =	shalt  }
0x53: {  	_ =	shalt  }
0x54: {  	_ =	shalt  }
0x55: {  	_ =	shalt  }
0x56: {  	_ =	shalt  }
0x57: {  	_ =	shalt  }
0x58: {  	_ =	shalt  }
0x59: {  	_ =	shalt  }
0x5a: {  	_ =	shalt  }
0x5b: {  	_ =	shalt  }
0x5c: {  	_ =	shalt  }
0x5d: {  	_ =	shalt  }
0x5e: {  	_ =	shalt  }
0x5f: {  	_ =	shalt  }
0x60: {  	_ =	shalt  }
0x61: {  	_ =	shalt  }
0x62: {  	_ =	shalt  }
0x63: {  	_ =	shalt  }
0x64: {  	_ =	shalt  }
0x65: {  	_ =	shalt  }
0x66: {  	_ =	shalt  }
0x67: {  	_ =	shalt  }
0x68: {  	_ =	shalt  }
0x69: {  	_ =	shalt  }
0x6a: {  	_ =	shalt  }
0x6b: {  	_ =	shalt  }
0x6c: {  	_ =	shalt  }
0x6d: {  	_ =	shalt  }
0x6e: {  	_ =	shalt  }
0x6f: {  	_ =	shalt  }
0x70: {  	_ =	shalt  }
0x71: {  	_ =	shalt  }
0x72: {  	_ =	shalt  }
0x73: {  	_ =	shalt  }
0x74: {  	_ =	shalt  }
0x75: {  	_ =	shalt  }
0x76: {  	_ =	shalt  }
0x77: {  	_ =	shalt  }
0x78: {  	_ =	shalt  }
0x79: {  	_ =	shalt  }
0x7a: {  	_ =	shalt  }
0x7b: {  	_ =	shalt  }
0x7c: {  	_ =	shalt  }
0x7d: {  	_ =	shalt  }
0x7e: {  	_ =	shalt  }
0x7f: {  	_ =	shalt  }
0x80: {  	_ =	shalt  }
0x81: {  	_ =	shalt  }
0x82: {  	_ =	shalt  }
0x83: {  	_ =	shalt  }
0x84: {  	_ =	shalt  }
0x85: {  	_ =	shalt  }
0x86: {  	_ =	shalt  }
0x87: {  	_ =	shalt  }
.Lfunc_end0:
.L_simem_size_0:
called_computation.2_lowered:
.L_overlay_start_0:
0x88: {  	s2 =	sld [smem:$0x3FD9]  }
0x89: {  	s3 =	sld [smem:$0x3FFE];
	_ =	sdelay $0x1  }
0x8a: {  	s1 =	srdreg.scid  }
0x8b: {  	s0 =	sand.u32 $0x1, s1  }
0x8c: {  	s17 =	sshll.u32 s0, $0xA;
	s2 =	sadd.s32 s3, s2  }
0x8d: {  	s2 =	sadd.s32 s2, s17  }
0x8e: {  	[smem:$0x3FC2] =	sst s2  }
0x8f: {  	_ = 	snop  }
0x90: {  	s2 =	sld [smem:$0x3FD0];
	(tm) =	ssettm $0x1  }
0x91: {  	s18 =	sld [smem:$0x3FFB];
	_ =	sdelay $0x3  }
0x92: {  	_ =	strace s18  }
0x93: {  	s3 =	sld [smem:$0x3FFC];
	_ =	sdelay $0x3  }
0x94: {  	_ =	strace s3  }
0x95: {  	s3 =	sld [smem:$0x3FFD];
	_ =	sdelay $0x3  }
0x96: {  	_ =	strace s3  }
0x97: {  	_ =	strace $0x8FFFFFFF  }
0x98: {  	s19 =	sld [smem:$0x3FDB];
	_ =	sdelay $0x1  }
0x99: {  	s4 =	simm.s32 $_scs_section_size  }
0x9a: {  	s5 =	simm.s32 $_size__tile_overlayer_lowered;
	s6 =	simm.s32 $_tile_overlayer_lowered  }
0x9b: {  	s22 =	simm.s32 $0x1BFF;
	s21 =	sshll.u32 s6, $0x1;
	s3 =	sadd.s32 s4, s19  }
0x9c: {  	s7 =	simm.s32 $0x0;
	s20 =	sshll.u32 s5, $0x1;
	s5 =	sadd.s32 s21, s3  }
0x9d: {  	[timem:s7], [sflag:s22] =	dma.local [hbm:s5], s20  }
0x9e: {  	_ =	swait.ge [sflag:s22], s20  }
0x9f: {  	s4 =	ssub.s32 $0x0, s20;
	[sflag:s22] =	ssyncset.done $0x0  }
0xa0: {  	[sflag:s22] =	ssyncadd.s32 s4;
	_ =	sdelay $0x1  }
0xa1: {  	s23 =	simm.s32 $0x1B8B  }
0xa2: {  	_ =	swait.ge [sflag:s23], $0x1  }
0xa3: {  	[sflag:s23] =	ssyncset.done $0x0  }
0xa4: {  	s25 =	simm.s32 $0x1B8E;
	s24 =	sld [smem:$0x3FFE];
	[sflag:s23] =	ssyncadd.s32 $0xFFFFFFFF  }
0xa5: {  	s26 =	simm.s32 $execute0_lowered;
	[smem:$0x3FD2] =	sst s25  }
0xa6: {  	s5 =	sshll.u32 s26, $0x1;
	_ =	strace $0x8000004C;
	[dreg:$0x1] =	wrdreg $0xFFFFFFFF  }
0xa7: {  	s28 =	simm.s32 $_size_execute0_lowered;
	s3 =	sadd.s32 s3, s5;
	[dreg:$0x0] =	wrdreg $0x0  }
0xa8: {  	s5 =	sshll.u32 s28, $0x1;
	[dreg:$0x2] =	wrdreg s3  }
0xa9: {  	[dreg:$0x3] =	wrdreg s5  }
0xaa: {  	[dreg:$0x4] =	wrdreg $0xC0  }
0xab: {  	_ =	task [dreg:s7], $0x5FFFF  }
0xac: {  	[dreg:$0x1] =	wrdreg $0xFFFFFFFF  }
0xad: {  	[dreg:$0x0] =	wrdreg $0x60  }
0xae: {  	[dreg:$0x2] =	wrdreg s2  }
0xaf: {  	[dreg:$0x3] =	wrdreg s24  }
0xb0: {  	[dreg:$0x4] =	wrdreg $0x25000  }
0xb1: {  	[dreg:$0x5] =	wrdreg $0x9  }
0xb2: {  	_ =	task.clear_ibuf [dreg:s7], $0x6FFFF;
	_ =	strace $0x9000004C  }
0xb3: {  	s29 =	simm.s32 $0x9;
	_ =	strace $0x8000004E  }
0xb4: {  	_ =	swait.ge [sflag:s29], $0x1  }
0xb5: {  	[sflag:s29] =	ssyncadd.s32 $0xFFFFFFFF  }
0xb6: {  	_ =	strace $0x9000004E  }
0xb7: {  	_ =	sfence  }
0xb8: {  	s30 =	sld [smem:$0x0];
	_ =	sdelay $0x2  }
0xb9: {  	s31 =	sshll.u32 s1, $0xD;
	s1 =	sshrl.u32 s1, $0x2  }
0xba: {  	s3 =	sand.u32 $0x4000, s31;
	s1 =	sadd.s32 s1, s30  }
0xbb: {  	s0 =	sor.u32 s3, s0;
	s1 =	sshll.u32 s1, $0x11  }
0xbc: {  	s0 =	sor.u32 s1, s0  }
0xbd: {  	s0 =	sadd.s32 $0x8F2B, s0  }
0xbe: {  	[sflag:s0] =	ssyncadd.remote.s32 $0x1  }
0xbf: {  	_ =	sfence.sel $0xFFFF  }
0xc0: {  	[dreg:$0x0] =	wrdreg $0xFFFFFFFF;
	(pc) =	sbr.abs _section_cstart, $3  }
0xc1: {  	[dreg:$0x1] =	wrdreg $0xFFFFFFFF  }
0xc2: {  	_ =	task.clear_ibuf [dreg:s7], $0x2FFFF;
	_ =	strace $0x9FFFFFFF  }
0xc3: {  	(tm) =	ssettm $0x7FFFFFFF  }
tec
execute0_lowered:
.L_overlay_start_1:
0x0: {  	(tag) =	ssettag $0x1  }
0x1: {  	s9 =	rddreg [dreg:$0x0]  }
0x2: {  	s5 =	rddreg [dreg:$0x1]  }
0x3: {  	s0 =	srdreg.scid;
	s2 =	rddreg [dreg:$0x2]  }
0x4: {  	s1 =	rddreg [dreg:$0x3];
	s6 =	sand.u32 $0x1, s0  }
0x5: {  	s3 =	simm.s32 $0x0;
	s0 =	stileid.u32;
	s4 =	smul.u32 $0x27800, s6  }
0x6: {  	s13 =	simm.s32 $0x100;
	s14 =	simm.s32 $0x1;
	s7 =	smul.u32 $0x2780, s0  }
0x7: {  	s17 =	simm.s32 $0x0;
	[smem:$0x7FF] =	sst s3;
	s28 =	smul.u32 $0x1400, s0  }
0x8: {  	s8 =	smul.u32 $0x14000, s6;
	_ =	strace $0x8000004D;
	s6 =	ssub.s32 $0x2, s6  }
0x9: {  	s12 =	smul.u32 $0x28000, s0;
	s15 =	sshll.u32 s0, $0x6;
	s29 =	sshrl.u32 s6, $0x1  }
0xa: {  	s15 =	sor.u32 $0x1C02, s15;
	s4 =	sadd.s32 s7, s4;
	s7 =	sadd.s32 s28, s8  }
0xb: {  	s30 =	sshrl.u32 s12, $0x2;
	s31 =	ssub.s32 s6, s29;
	s12 =	simm.s32 $0x80  }
0xc: {  	s10 =	sshrl.u32 s4, $0x3;
	s4 =	sadd.s32 $0xB400, s5;
	s7 =	sadd.s32 s7, s5  }
0xd: {  	s11 =	sadd.s32 s10, s5;
	s5 =	sadd.s32 s30, s2;
	s6 =	sadd.s32 $0x1F400, s7  }
0xe: {  	s7 =	smax.u32 s31, $0x1;
	s9 =	sadd.s32 s10, s9;
	s10 =	simm.s32 $0x2100  }
0xf: {  	v0 =	vimm.f32 $0.0e+00;
	s8 =	sadd.s32 $0x1600, s11;
	s11 =	simm.s32 $0x2;
	s16 =	sshrl.u32 s5, $0x3  }
.LBB2_1:
0x10: {  	[tilespmem:$0x2100] =	vst v0  }
0x11: {  	[tilespmem:$0x2110] =	vst v0  }
0x12: {  	[tilespmem:$0x2120] =	vst v0  }
0x13: {  	[tilespmem:$0x2130] =	vst v0  }
0x14: {  	[tilespmem:$0x2140] =	vst v0  }
0x15: {  	[tilespmem:$0x2150] =	vst v0  }
0x16: {  	[tilespmem:$0x2160] =	vst v0  }
0x17: {  	[tilespmem:$0x2170] =	vst v0  }
0x18: {  	[tilespmem:$0x2180] =	vst v0  }
0x19: {  	[tilespmem:$0x2190] =	vst v0  }
0x1a: {  	[tilespmem:$0x21A0] =	vst v0  }
0x1b: {  	[tilespmem:$0x21B0] =	vst v0  }
0x1c: {  	[tilespmem:$0x21C0] =	vst v0  }
0x1d: {  	[tilespmem:$0x21D0] =	vst v0  }
0x1e: {  	[tilespmem:$0x21E0] =	vst v0  }
0x1f: {  	[tilespmem:$0x21F0] =	vst v0  }
0x20: {  	[tilespmem:$0x2200] =	vst v0  }
0x21: {  	[tilespmem:$0x2210] =	vst v0  }
0x22: {  	[tilespmem:$0x2220] =	vst v0  }
0x23: {  	[tilespmem:$0x2230] =	vst v0  }
0x24: {  	[tilespmem:$0x2240] =	vst v0  }
0x25: {  	[tilespmem:$0x2250] =	vst v0  }
0x26: {  	[tilespmem:$0x2260] =	vst v0  }
0x27: {  	[tilespmem:$0x2270] =	vst v0  }
0x28: {  	[tilespmem:$0x2280] =	vst v0  }
0x29: {  	[tilespmem:$0x2290] =	vst v0  }
0x2a: {  	[tilespmem:$0x22A0] =	vst v0  }
0x2b: {  	[tilespmem:$0x22B0] =	vst v0  }
0x2c: {  	[tilespmem:$0x22C0] =	vst v0  }
0x2d: {  	[tilespmem:$0x22D0] =	vst v0  }
0x2e: {  	[tilespmem:$0x22E0] =	vst v0  }
0x2f: {  	[tilespmem:$0x22F0] =	vst v0  }
0x30: {  	[tilespmem:$0x2300] =	vst v0  }
0x31: {  	[tilespmem:$0x2310] =	vst v0  }
0x32: {  	[tilespmem:$0x2320] =	vst v0  }
0x33: {  	[tilespmem:$0x2330] =	vst v0  }
0x34: {  	[tilespmem:$0x2340] =	vst v0  }
0x35: {  	[tilespmem:$0x2350] =	vst v0  }
0x36: {  	[tilespmem:$0x2360] =	vst v0  }
0x37: {  	[tilespmem:$0x2370] =	vst v0  }
0x38: {  	[tilespmem:$0x2380] =	vst v0  }
0x39: {  	[tilespmem:$0x2390] =	vst v0  }
0x3a: {  	[tilespmem:$0x23A0] =	vst v0  }
0x3b: {  	[tilespmem:$0x23B0] =	vst v0  }
0x3c: {  	[tilespmem:$0x23C0] =	vst v0  }
0x3d: {  	[tilespmem:$0x23D0] =	vst v0  }
0x3e: {  	[tilespmem:$0x23E0] =	vst v0  }
0x3f: {  	[tilespmem:$0x23F0] =	vst v0  }
0x40: {  	[tilespmem:$0x2400] =	vst v0  }
0x41: {  	[tilespmem:$0x2410] =	vst v0  }
0x42: {  	[tilespmem:$0x2420] =	vst v0  }
0x43: {  	[tilespmem:$0x2430] =	vst v0  }
0x44: {  	[tilespmem:$0x2440] =	vst v0  }
0x45: {  	[tilespmem:$0x2450] =	vst v0  }
0x46: {  	[tilespmem:$0x2460] =	vst v0  }
0x47: {  	[tilespmem:$0x2470] =	vst v0  }
0x48: {  	[tilespmem:$0x2480] =	vst v0  }
0x49: {  	[tilespmem:$0x2490] =	vst v0  }
0x4a: {  	[tilespmem:$0x24A0] =	vst v0  }
0x4b: {  	[tilespmem:$0x24B0] =	vst v0  }
0x4c: {  	[tilespmem:$0x24C0] =	vst v0  }
0x4d: {  	[tilespmem:$0x24D0] =	vst v0  }
0x4e: {  	[tilespmem:$0x24E0] =	vst v0  }
0x4f: {  	[tilespmem:$0x24F0] =	vst v0;
	s18 =	sadd.s32 $0x0, s5  }
0x50: {  	[spmem:s18] =	stream.linear.scatter [tilespmem:s10], [sflag:$0x2], $0x400, $0x38;
	[tilespmem:$0xC500] =	vst v63  }
0x51: {  	s18 =	simm.s32 $0x1000;
	_ =	swait.ge [sflag:s11], $0x400  }
.LBB2_2:
0x52: {  	s19 =	sshra.s32 s18, $0x2;
	[sflag:s11] =	ssyncset.done $0x0;
	p0 =	sne.s32 s18, $0x27000  }
.Ltmp0:
0x53: {  	s19 =	sadd.s32 s19, s5;
	[sflag:s11] =	ssyncadd.s32 $0xFFFFFC00;
	(pc) =	sbr.rel @p0 .LBB2_2-.Ltmp0, $3  }
0x54: {  	[spmem:s19] =	stream.linear.scatter [tilespmem:s10], [sflag:$0x2], $0x400, $0x38;
	[tilespmem:$0xC500] =	vst v63  }
0x55: {  	s18 =	sadd.s32 $0x1000, s18;
	_ =	sdelay $0x1  }
0x56: {  	_ =	swait.ge [sflag:s11], $0x400  }
0x57: {  	[sflag:s11] =	ssyncset.done $0x0  }
0x58: {  	[sflag:s11] =	ssyncadd.s32 $0xFFFFFC00  }
0x59: {  	s18 =	sadd.s32 $0x0, s9;
	[bflag:$0x0] =	sbarrier.arrive $0xFFFF  }
0x5a: {  	[tilespmem:s3], [sflag:$0x2] =	stream.linear.gather [hbm4b:s18+s3], $0x80, $0x38;
	[tilespmem:$0xC500] =	vst v63  }
0x5b: {  	_ =	swait.ge [sflag:s11], $0x80  }
0x5c: {  	[sflag:s11] =	ssyncset.done $0x0  }
0x5d: {  	s31 =	sadd.s32 $0x0, s8;
	[sflag:s11] =	ssyncadd.s32 $0xFFFFFF80  }
0x5e: {  	[tilespmem:s12], [sflag:$0x2] =	stream.linear.gather [hbm4b:s31+s3], $0x80, $0x38;
	[tilespmem:$0xC500] =	vst v63  }
0x5f: {  	_ =	swait.ge [sflag:s11], $0x80  }
0x60: {  	[sflag:s11] =	ssyncset.done $0x0  }
0x61: {  	[sflag:s11] =	ssyncadd.s32 $0xFFFFFF80  }
0x62: {  	[tilespmem:s13], [sflag:$0x1] =	stream.indirect.gather [hbm4b:s4+s12], $0x40, s3, s12, $0xb8;
	[tilespmem:$0xC500] =	vst v63  }
0x63: {  	_ =	swait.ge [sflag:s14], $0x2000  }
0x64: {  	[sflag:s14] =	ssyncset.done $0x0  }
0x65: {  	[sflag:s14] =	ssyncadd.s32 $0xFFFFE000  }
0x66: {  	[spmem:s2] =	stream.indirect.scatter.add.f32 [tilespmem:s13], [sflag:$0x2], $0x40, s12, s12, $0xb8;
	[tilespmem:$0xC500] =	vst v63  }
0x67: {  	_ =	swait.ge [sflag:s11], $0x2000  }
0x68: {  	s19 =	simm.s32 $0x20;
	s18 =	simm.s32 $0x10;
	[sflag:s11] =	ssyncset.done $0x0  }
.LBB2_4:
0x69: {  	s20 =	sadd.s32 s18, s9  }
0x6a: {  	[sflag:s11] =	ssyncadd.s32 $0xFFFFE000;
	s21 =	smov.u32 s19;
	s22 =	sadd.s32 $0x10, s19  }
0x6b: {  	[tilespmem:s3], [sflag:$0x2] =	stream.linear.gather [hbm4b:s20+s3], $0x80, $0x38;
	[tilespmem:$0xC500] =	vst v63  }
0x6c: {  	p0 =	sne.s32 s19, $0x4E0;
	_ =	swait.ge [sflag:s11], $0x80  }
0x6d: {  	[sflag:s11] =	ssyncset.done $0x0  }
0x6e: {  	s19 =	sadd.s32 s18, s8;
	s18 =	smov.u32 s21;
	[sflag:s11] =	ssyncadd.s32 $0xFFFFFF80  }
0x6f: {  	[tilespmem:s12], [sflag:$0x2] =	stream.linear.gather [hbm4b:s19+s3], $0x80, $0x38;
	[tilespmem:$0xC500] =	vst v63  }
0x70: {  	_ =	swait.ge [sflag:s11], $0x80  }
0x71: {  	[sflag:s11] =	ssyncset.done $0x0  }
0x72: {  	[sflag:s11] =	ssyncadd.s32 $0xFFFFFF80  }
0x73: {  	[tilespmem:s13], [sflag:$0x1] =	stream.indirect.gather [hbm4b:s4+s12], $0x40, s3, s12, $0xb8;
	[tilespmem:$0xC500] =	vst v63  }
0x74: {  	_ =	swait.ge [sflag:s14], $0x2000  }
.Ltmp1:
0x75: {  	[sflag:s14] =	ssyncset.done $0x0;
	(pc) =	sbr.rel @p0 .LBB2_4-.Ltmp1, $4  }
0x76: {  	[sflag:s14] =	ssyncadd.s32 $0xFFFFE000  }
0x77: {  	[spmem:s2] =	stream.indirect.scatter.add.f32 [tilespmem:s13], [sflag:$0x2], $0x40, s12, s12, $0xb8;
	[tilespmem:$0xC500] =	vst v63  }
0x78: {  	_ =	swait.ge [sflag:s11], $0x2000  }
0x79: {  	s19 =	smov.u32 s22;
	[sflag:s11] =	ssyncset.done $0x0  }
0x7a: {  	s19 =	sadd.s32 s18, s9;
	[sflag:s11] =	ssyncadd.s32 $0xFFFFE000  }
0x7b: {  	[tilespmem:s3], [sflag:$0x2] =	stream.linear.gather [hbm4b:s19+s3], $0x80, $0x38;
	[tilespmem:$0xC500] =	vst v63  }
0x7c: {  	_ =	swait.ge [sflag:s11], $0x80  }
0x7d: {  	[sflag:s11] =	ssyncset.done $0x0  }
0x7e: {  	s31 =	sadd.s32 s18, s8;
	[sflag:s11] =	ssyncadd.s32 $0xFFFFFF80  }
0x7f: {  	[tilespmem:s12], [sflag:$0x2] =	stream.linear.gather [hbm4b:s31+s3], $0x80, $0x38;
	[tilespmem:$0xC500] =	vst v63  }
0x80: {  	_ =	swait.ge [sflag:s11], $0x80  }
0x81: {  	[sflag:s11] =	ssyncset.done $0x0  }
0x82: {  	[sflag:s11] =	ssyncadd.s32 $0xFFFFFF80  }
0x83: {  	[tilespmem:s13], [sflag:$0x1] =	stream.indirect.gather [hbm4b:s4+s12], $0x40, s3, s12, $0xb8;
	[tilespmem:$0xC500] =	vst v63  }
0x84: {  	_ =	swait.ge [sflag:s14], $0x2000  }
0x85: {  	[sflag:s14] =	ssyncset.done $0x0  }
0x86: {  	[sflag:s14] =	ssyncadd.s32 $0xFFFFE000  }
0x87: {  	[spmem:s2] =	stream.indirect.scatter.add.f32 [tilespmem:s13], [sflag:$0x2], $0x40, s12, s12, $0xb8;
	[tilespmem:$0xC500] =	vst v63  }
0x88: {  	_ =	swait.ge [sflag:s11], $0x2000  }
0x89: {  	s17 =	sadd.s32 $0x1, s17;
	[sflag:s11] =	ssyncset.done $0x0  }
0x8a: {  	p0 =	sne.s32 s17, s7;
	[sflag:s11] =	ssyncadd.s32 $0xFFFFE000  }
.Ltmp2:
0x8b: {  	[bflag:$0x0] =	sbarrier.arrive $0xFFFF;
	(pc) =	sbr.rel @p0 .LBB2_1-.Ltmp2, $4  }
0x8c: {  	[hbm:s6], [sflag:s15] =	dma.local [spmem:s16], $0x1400  }
0x8d: {  	_ =	swait.ge [sflag:s11], $0x1400  }
0x8e: {  	[sflag:s11] =	ssyncset.done $0x0  }
0x8f: {  	[sflag:s11] =	ssyncadd.s32 $0xFFFFEC00  }
0x90: {  	_ =	sfence.sel $0x180000  }
0x91: {  	[bflag:$0x0] =	sbarrier.arrive $0xFFFF  }
0x92: {  	p0 =	sne.s32 s0, $0x0;
	_ =	strace $0x9000004D  }
0x93: {  	s0 =	sadd.s32 @!p0 $0x100000, s1;
	[bflag:$0x2] =	sbarrier.arrive $0xFFFF  }
0x94: {  	[sflag:s0] =	ssyncadd.tile.s32 @!p0 $0x1;
	_ =	shalt  }
.Lfunc_end2:
_tile_overlayer_lowered:
.L_overlay_start_2:
0x95: {  	(tag) =	ssettag $0x2  }
0x96: {  	s0 =	rddreg [dreg:$0x0];
	s2 =	stileid.u32  }
0x97: {  	s1 =	rddreg [dreg:$0x1];
	p0 =	sne.s32 s2, $0x0  }
0x98: {  	s3 =	rddreg [dreg:$0x2];
	[bflag:$0x3] =	sbarrier.arrive $0xFFFF;
	s2 =	simm.s32 @!p0 $0x1C02  }
0x99: {  	[timem:s3], [sflag:s2] =	dma.local @!p0 [hbm:s0], s1  }
0x9a: {  	s0 =	simm.s32 @!p0 $0x2  }
0x9b: {  	_ =	swait.ge @!p0 [sflag:s0], s1  }
0x9c: {  	s1 =	ssub.s32 @!p0 $0x0, s1;
	[sflag:s0] =	ssyncset.done @!p0 $0x0  }
0x9d: {  	[sflag:s0] =	ssyncadd.s32 @!p0 s1  }
0x9e: {  	[bflag:$0x3] =	sbarrier.arrive $0xFFFF  }
0x9f: {  	_ =	shalt  }

// kernel: kernel.8.cloned.1.call-start
scs
__scs_entry_jumppad:
0x0: {  	(pc) =	sbr.rel $0x88, $3  }
0x1: {  	(tag) =	ssettag $0x0;
	lr =	simm.s32 $0x1  }
0x2: {  	[smem:$0x3F9B] =	sst lr;
	_ =	strace $0xD0000000  }
0x3: {  	_ = 	snop  }
0x4: {  	_ = 	snop  }
0x5: {  	_ = 	snop  }
0x6: {  	_ = 	snop  }
0x7: {  	_ = 	snop  }
__scs_overlays_trampoline_lowered:
0x8: {  	[smem:$0x3FAA] =	sst s0  }
0x9: {  	[smem:$0x3FAB] =	sst s1  }
0xa: {  	[smem:$0x3FAC] =	sst s2  }
0xb: {  	[smem:$0x3FAD] =	sst s3  }
0xc: {  	[smem:$0x3FAE] =	sst s4  }
0xd: {  	[smem:$0x3FAF] =	sst s5  }
0xe: {  	[smem:$0x3FB0] =	sst s6  }
0xf: {  	[smem:$0x3FB1] =	sst s7  }
0x10: {  	[smem:$0x3FB2] =	sst s8  }
0x11: {  	[smem:$0x3FB3] =	sst s9;
	s0 =	simm.s32 @!p0 $0x0  }
0x12: {  	s1 =	sld [smem:$0x3F99];
	s0 =	simm.s32 @p0 $0x1  }
0x13: {  	[smem:$0x3FB4] =	sst s0;
	s0 =	simm.s32 @!p1 $0x0  }
0x14: {  	s2 =	sld [smem:$0x3F98];
	s0 =	simm.s32 @p1 $0x1  }
0x15: {  	[smem:$0x3FB5] =	sst s0;
	s0 =	simm.s32 @!p2 $0x0  }
0x16: {  	s3 =	sld [smem:$0x3FDB];
	s0 =	simm.s32 @p2 $0x1  }
0x17: {  	s4 =	simm.s32 $0x1BF5;
	[smem:$0x3FB7] =	sst s0  }
0x18: {  	s0 =	sld [smem:$0x3F9A];
	_ =	swait.ge [sflag:s4], $0x0  }
0x19: {  	s7 =	sld [smem:$0x3F9B]  }
0x1a: {  	s8 =	sadd.s32 $0xFFFFE003, lr  }
0x1b: {  	s9 =	sadd.s32 $0xFFFFFEF7, lr;
	s5 =	simm.s32 $0xFFFFFFFF;
	p2 =	slt.u32 s8, $0xFFFFF086  }
0x1c: {  	p1 =	slt.u32 s9, $0xF7A;
	s5 =	simm.s32 @!p2 $0x0  }
0x1d: {  	s5 =	simm.s32 @p1 $0x1;
	p0 =	seq.s32 s7, s2  }
0x1e: {  	s7 =	smul.u32 @!p0 $0xF7A, s2;
	p2 =	seq.s32 @!p0 s5, $0x0  }
0x1f: {  	s9 =	smul.u32 $0xF7A, s1;
	s8 =	simm.s32 @!p0 $0x1BF5;
	p2 =	por !p2, p0  }
0x20: {  	[sflag:s8] =	ssyncset.s32 @!p0 $0xFFFFF086;
	s6 =	sadd.s32 @!p0 s3, s7;
	s7 =	simm.s32 @!p0 $0x108  }
0x21: {  	s3 =	sadd.s32 s3, s9;
	s6 =	sadd.s32 @!p0 $0x88, s6;
	s7 =	simm.s32 @p2 $0x1082  }
0x22: {  	[simem:s7], [sflag:s8] =	dma.local @!p0 [hbm:s6], $0xF7A  }
0x23: {  	s9 =	sor.u32 $0xD0000000, s2;
	s6 =	simm.s32 $0x108;
	_ =	swait.ge @!p0 [sflag:s8], $0x0  }
0x24: {  	s3 =	sadd.s32 $0x88, s3;
	s6 =	simm.s32 @!p1 $0x1082;
	[sflag:s4] =	ssyncset.s32 $0xFFFFF086  }
0x25: {  	[simem:s6], [sflag:s4] =	dma.local [hbm:s3], $0xF7A  }
0x26: {  	[smem:$0x3F9B] =	sst s1;
	(tag) =	ssettag s2;
	_ =	strace s9  }
0x27: {  	s1 =	sld [smem:$0x3FAB]  }
0x28: {  	s2 =	sld [smem:$0x3FAC]  }
0x29: {  	s4 =	sld [smem:$0x3FAE]  }
0x2a: {  	p0 =	seq.s32 s5, $0x0;
	s5 =	sld [smem:$0x3FAF]  }
0x2b: {  	s6 =	sld [smem:$0x3FB0]  }
0x2c: {  	s7 =	sld [smem:$0x3FB1]  }
0x2d: {  	s3 =	simm.s32 $0x108;
	s8 =	sld [smem:$0x3FB2]  }
0x2e: {  	s3 =	simm.s32 @!p0 $0x1082;
	s9 =	sld [smem:$0x3FB3]  }
0x2f: {  	lr =	sadd.s32 s0, s3;
	s0 =	sld [smem:$0x3FAA]  }
0x30: {  	s3 =	sld [smem:$0x3FAD]  }
0x31: {  	[smem:$0x3FB6] =	sst s10  }
0x32: {  	s10 =	sld [smem:$0x3FB4];
	_ =	sdelay $0x3  }
0x33: {  	p0 =	seq.s32 s10, $0x1;
	s10 =	sld [smem:$0x3FB6];
	_ =	sdelay $0x3  }
0x34: {  	[smem:$0x3FB6] =	sst s10  }
0x35: {  	s10 =	sld [smem:$0x3FB5];
	_ =	sdelay $0x3  }
0x36: {  	p1 =	seq.s32 s10, $0x1;
	s10 =	sld [smem:$0x3FB6];
	_ =	sdelay $0x3  }
0x37: {  	[smem:$0x3FB6] =	sst s10  }
0x38: {  	s10 =	sld [smem:$0x3FB7]  }
0x39: {  	_ = 	snop;
	(pc) =	sbr.ind lr, $3  }
0x3a: {  	_ = 	snop  }
0x3b: {  	_ = 	snop  }
0x3c: {  	p2 =	seq.s32 s10, $0x1;
	s10 =	sld [smem:$0x3FB6]  }
0x3d: {  	_ =	shalt  }
0x3e: {  	_ =	shalt  }
0x3f: {  	_ =	shalt  }
0x40: {  	_ =	shalt  }
0x41: {  	_ =	shalt  }
0x42: {  	_ =	shalt  }
0x43: {  	_ =	shalt  }
0x44: {  	_ =	shalt  }
0x45: {  	_ =	shalt  }
0x46: {  	_ =	shalt  }
0x47: {  	_ =	shalt  }
0x48: {  	_ =	shalt  }
0x49: {  	_ =	shalt  }
0x4a: {  	_ =	shalt  }
0x4b: {  	_ =	shalt  }
0x4c: {  	_ =	shalt  }
0x4d: {  	_ =	shalt  }
0x4e: {  	_ =	shalt  }
0x4f: {  	_ =	shalt  }
0x50: {  	_ =	shalt  }
0x51: {  	_ =	shalt  }
0x52: {  	_ =	shalt  }
0x53: {  	_ =	shalt  }
0x54: {  	_ =	shalt  }
0x55: {  	_ =	shalt  }
0x56: {  	_ =	shalt  }
0x57: {  	_ =	shalt  }
0x58: {  	_ =	shalt  }
0x59: {  	_ =	shalt  }
0x5a: {  	_ =	shalt  }
0x5b: {  	_ =	shalt  }
0x5c: {  	_ =	shalt  }
0x5d: {  	_ =	shalt  }
0x5e: {  	_ =	shalt  }
0x5f: {  	_ =	shalt  }
0x60: {  	_ =	shalt  }
0x61: {  	_ =	shalt  }
0x62: {  	_ =	shalt  }
0x63: {  	_ =	shalt  }
0x64: {  	_ =	shalt  }
0x65: {  	_ =	shalt  }
0x66: {  	_ =	shalt  }
0x67: {  	_ =	shalt  }
0x68: {  	_ =	shalt  }
0x69: {  	_ =	shalt  }
0x6a: {  	_ =	shalt  }
0x6b: {  	_ =	shalt  }
0x6c: {  	_ =	shalt  }
0x6d: {  	_ =	shalt  }
0x6e: {  	_ =	shalt  }
0x6f: {  	_ =	shalt  }
0x70: {  	_ =	shalt  }
0x71: {  	_ =	shalt  }
0x72: {  	_ =	shalt  }
0x73: {  	_ =	shalt  }
0x74: {  	_ =	shalt  }
0x75: {  	_ =	shalt  }
0x76: {  	_ =	shalt  }
0x77: {  	_ =	shalt  }
0x78: {  	_ =	shalt  }
0x79: {  	_ =	shalt  }
0x7a: {  	_ =	shalt  }
0x7b: {  	_ =	shalt  }
0x7c: {  	_ =	shalt  }
0x7d: {  	_ =	shalt  }
0x7e: {  	_ =	shalt  }
0x7f: {  	_ =	shalt  }
0x80: {  	_ =	shalt  }
0x81: {  	_ =	shalt  }
0x82: {  	_ =	shalt  }
0x83: {  	_ =	shalt  }
0x84: {  	_ =	shalt  }
0x85: {  	_ =	shalt  }
0x86: {  	_ =	shalt  }
0x87: {  	_ =	shalt  }
.Lfunc_end0:
.L_simem_size_0:
called_computation_lowered:
.L_overlay_start_0:
0x88: {  	s2 =	sld [smem:$0x3FD9]  }
0x89: {  	s3 =	sld [smem:$0x3FFE];
	_ =	sdelay $0x1  }
0x8a: {  	s1 =	srdreg.scid  }
0x8b: {  	s0 =	sand.u32 $0x1, s1  }
0x8c: {  	s16 =	sshll.u32 s0, $0xA;
	s2 =	sadd.s32 s3, s2  }
0x8d: {  	s2 =	sadd.s32 s2, s16  }
0x8e: {  	[smem:$0x3FC2] =	sst s2  }
0x8f: {  	_ = 	snop  }
0x90: {  	(tm) =	ssettm $0x1  }
0x91: {  	s17 =	sld [smem:$0x3FFB];
	_ =	sdelay $0x3  }
0x92: {  	_ =	strace s17  }
0x93: {  	s2 =	sld [smem:$0x3FFC];
	_ =	sdelay $0x3  }
0x94: {  	_ =	strace s2  }
0x95: {  	s2 =	sld [smem:$0x3FFD];
	_ =	sdelay $0x3  }
0x96: {  	_ =	strace s2  }
0x97: {  	_ =	strace $0x8FFFFFFF  }
0x98: {  	s18 =	sld [smem:$0x3FDB];
	_ =	sdelay $0x1  }
0x99: {  	s19 =	simm.s32 $_scs_section_size  }
0x9a: {  	s4 =	simm.s32 $_size__tile_overlayer_lowered;
	s5 =	simm.s32 $_tile_overlayer_lowered  }
0x9b: {  	s22 =	simm.s32 $0x1BFF;
	s21 =	sshll.u32 s5, $0x1;
	s2 =	sadd.s32 s19, s18  }
0x9c: {  	s6 =	simm.s32 $0x0;
	s20 =	sshll.u32 s4, $0x1;
	s4 =	sadd.s32 s21, s2  }
0x9d: {  	[timem:s6], [sflag:s22] =	dma.local [hbm:s4], s20  }
0x9e: {  	_ =	swait.ge [sflag:s22], s20  }
0x9f: {  	s3 =	ssub.s32 $0x0, s20;
	[sflag:s22] =	ssyncset.done $0x0  }
0xa0: {  	[sflag:s22] =	ssyncadd.s32 s3;
	_ =	sdelay $0x1  }
0xa1: {  	s23 =	simm.s32 $0x1B8B  }
0xa2: {  	_ =	swait.ge [sflag:s23], $0x1  }
0xa3: {  	[sflag:s23] =	ssyncset.done $0x0  }
0xa4: {  	s25 =	simm.s32 $0x1B8E;
	s24 =	sld [smem:$0x3FFE];
	[sflag:s23] =	ssyncadd.s32 $0xFFFFFFFF  }
0xa5: {  	s26 =	simm.s32 $execute0_lowered;
	[smem:$0x3FD2] =	sst s25  }
0xa6: {  	s4 =	sshll.u32 s26, $0x1;
	_ =	strace $0x80000046;
	[dreg:$0x1] =	wrdreg $0xFFFFFFFF  }
0xa7: {  	s28 =	simm.s32 $_size_execute0_lowered;
	s2 =	sadd.s32 s2, s4;
	[dreg:$0x0] =	wrdreg $0x0  }
0xa8: {  	s4 =	sshll.u32 s28, $0x1;
	[dreg:$0x2] =	wrdreg s2  }
0xa9: {  	[dreg:$0x3] =	wrdreg s4  }
0xaa: {  	[dreg:$0x4] =	wrdreg $0xC0  }
0xab: {  	_ =	task [dreg:s6], $0x5FFFF  }
0xac: {  	[dreg:$0x1] =	wrdreg $0xFFFFFFFF  }
0xad: {  	[dreg:$0x0] =	wrdreg $0x60  }
0xae: {  	[dreg:$0x2] =	wrdreg s24  }
0xaf: {  	[dreg:$0x3] =	wrdreg $0x3800  }
0xb0: {  	[dreg:$0x4] =	wrdreg $0x9  }
0xb1: {  	_ =	task.clear_ibuf [dreg:s6], $0x5FFFF;
	_ =	strace $0x90000046  }
0xb2: {  	s29 =	simm.s32 $0x9;
	_ =	strace $0x80000048  }
0xb3: {  	_ =	swait.ge [sflag:s29], $0x1  }
0xb4: {  	[sflag:s29] =	ssyncadd.s32 $0xFFFFFFFF  }
0xb5: {  	_ =	strace $0x90000048  }
0xb6: {  	_ =	sfence  }
0xb7: {  	s30 =	sld [smem:$0x0];
	_ =	sdelay $0x2  }
0xb8: {  	s31 =	sshll.u32 s1, $0xD;
	s1 =	sshrl.u32 s1, $0x2  }
0xb9: {  	s3 =	sand.u32 $0x4000, s31;
	s1 =	sadd.s32 s1, s30  }
0xba: {  	s0 =	sor.u32 s3, s0;
	s1 =	sshll.u32 s1, $0x11  }
0xbb: {  	s0 =	sor.u32 s1, s0  }
0xbc: {  	s0 =	sadd.s32 $0x8F2B, s0  }
0xbd: {  	[sflag:s0] =	ssyncadd.remote.s32 $0x1  }
0xbe: {  	_ =	sfence.sel $0xFFFF  }
0xbf: {  	[dreg:$0x0] =	wrdreg $0xFFFFFFFF;
	(pc) =	sbr.abs _section_cstart, $3  }
0xc0: {  	[dreg:$0x1] =	wrdreg $0xFFFFFFFF  }
0xc1: {  	_ =	task.clear_ibuf [dreg:s6], $0x2FFFF;
	_ =	strace $0x9FFFFFFF  }
0xc2: {  	(tm) =	ssettm $0x7FFFFFFF  }
0xc3: {  	_ =	shalt  }
tec
execute0_lowered:
.L_overlay_start_1:
0x0: {  	(tag) =	ssettag $0x1  }
0x1: {  	s4 =	rddreg [dreg:$0x0]  }
0x2: {  	s2 =	rddreg [dreg:$0x1];
	s1 =	stileid.u32  }
0x3: {  	s5 =	srdreg.scid;
	s6 =	smul.u32 $0x280, s1  }
0x4: {  	s0 =	rddreg [dreg:$0x2];
	s5 =	sand.u32 $0x1, s5;
	s10 =	smul.u32 $0x4F0, s1  }
0x5: {  	s3 =	simm.s32 $0x0;
	s13 =	simm.s32 $0x0;
	s7 =	smul.u32 $0x2800, s5  }
0x6: {  	[smem:$0x7FF] =	sst s3;
	s11 =	sshll.u32 s1, $0x6;
	s8 =	smul.u32 $0x4F00, s5  }
0x7: {  	_ =	strace $0x80000047;
	s5 =	ssub.s32 $0x2, s5;
	s11 =	sor.u32 $0x1C01, s11  }
0x8: {  	s9 =	sshrl.u32 s5, $0x1;
	s7 =	sadd.s32 s6, s7;
	s8 =	sadd.s32 s8, s4  }
0x9: {  	s9 =	ssub.s32 s5, s9;
	s7 =	sshrl.u32 s7, $0x3;
	s31 =	sadd.s32 s10, s8  }
0xa: {  	s8 =	simm.s32 $0x100;
	s10 =	simm.s32 $0x80;
	s7 =	sadd.s32 s7, s4  }
0xb: {  	s4 =	sadd.s32 s6, s2;
	s6 =	smax.u32 s9, $0x1;
	s9 =	simm.s32 $0x1  }
0xc: {  	v0 =	vimm.f32 $1.000000000e+00;
	v1 =	vimm.f32 $0.0e+00;
	s5 =	sadd.s32 $0xB400, s7;
	s7 =	sadd.s32 $0x1600, s31;
	s12 =	sshrl.u32 s4, $0x3  }
.LBB2_1:
0xd: {  	[tilespmem:$0x80] =	vst v0  }
0xe: {  	[tilespmem:$0x90] =	vst v0  }
0xf: {  	[tilespmem:$0xA0] =	vst v0  }
0x10: {  	[tilespmem:$0xB0] =	vst v0  }
0x11: {  	[tilespmem:$0xC0] =	vst v0  }
0x12: {  	[tilespmem:$0xD0] =	vst v0  }
0x13: {  	[tilespmem:$0xE0] =	vst v0  }
0x14: {  	[tilespmem:$0xF0] =	vst v0  }
0x15: {  	[tilespmem:$0x100] =	vst v1  }
0x16: {  	[tilespmem:$0x110] =	vst v1  }
0x17: {  	[tilespmem:$0x120] =	vst v1  }
0x18: {  	[tilespmem:$0x130] =	vst v1  }
0x19: {  	[tilespmem:$0x140] =	vst v1  }
0x1a: {  	[tilespmem:$0x150] =	vst v1  }
0x1b: {  	[tilespmem:$0x160] =	vst v1  }
0x1c: {  	[tilespmem:$0x170] =	vst v1  }
0x1d: {  	[tilespmem:$0x180] =	vst v1  }
0x1e: {  	[tilespmem:$0x190] =	vst v1  }
0x1f: {  	[tilespmem:$0x1A0] =	vst v1  }
0x20: {  	[tilespmem:$0x1B0] =	vst v1  }
0x21: {  	[tilespmem:$0x1C0] =	vst v1  }
0x22: {  	[tilespmem:$0x1D0] =	vst v1  }
0x23: {  	[tilespmem:$0x1E0] =	vst v1  }
0x24: {  	[tilespmem:$0x1F0] =	vst v1  }
0x25: {  	[tilespmem:$0x200] =	vst v1  }
0x26: {  	[tilespmem:$0x210] =	vst v1  }
0x27: {  	[tilespmem:$0x220] =	vst v1  }
0x28: {  	[tilespmem:$0x230] =	vst v1  }
0x29: {  	[tilespmem:$0x240] =	vst v1  }
0x2a: {  	[tilespmem:$0x250] =	vst v1  }
0x2b: {  	[tilespmem:$0x260] =	vst v1  }
0x2c: {  	[tilespmem:$0x270] =	vst v1  }
0x2d: {  	[tilespmem:$0x280] =	vst v1  }
0x2e: {  	[tilespmem:$0x290] =	vst v1  }
0x2f: {  	[tilespmem:$0x2A0] =	vst v1  }
0x30: {  	[tilespmem:$0x2B0] =	vst v1  }
0x31: {  	[tilespmem:$0x2C0] =	vst v1  }
0x32: {  	[tilespmem:$0x2D0] =	vst v1  }
0x33: {  	[tilespmem:$0x2E0] =	vst v1  }
0x34: {  	[tilespmem:$0x2F0] =	vst v1  }
0x35: {  	[tilespmem:$0x300] =	vst v1  }
0x36: {  	[tilespmem:$0x310] =	vst v1  }
0x37: {  	[tilespmem:$0x320] =	vst v1  }
0x38: {  	[tilespmem:$0x330] =	vst v1  }
0x39: {  	[tilespmem:$0x340] =	vst v1  }
0x3a: {  	[tilespmem:$0x350] =	vst v1  }
0x3b: {  	[tilespmem:$0x360] =	vst v1  }
0x3c: {  	[tilespmem:$0x370] =	vst v1  }
0x3d: {  	[spmem:s4] =	stream.linear.scatter [tilespmem:s8], [sflag:$0x1], $0x280, $0x38;
	[tilespmem:$0x600] =	vst v63  }
0x3e: {  	_ =	swait.ge [sflag:s9], $0x280  }
0x3f: {  	[sflag:s9] =	ssyncset.done $0x0  }
0x40: {  	[sflag:s9] =	ssyncadd.s32 $0xFFFFFD80  }
0x41: {  	s14 =	sadd.s32 $0x0, s7;
	[bflag:$0x0] =	sbarrier.arrive $0xFFFF  }
0x42: {  	[tilespmem:s3], [sflag:$0x1] =	stream.linear.gather [hbm4b:s14+s3], $0x80, $0x38;
	[tilespmem:$0x600] =	vst v63  }
0x43: {  	_ =	swait.ge [sflag:s9], $0x80  }
0x44: {  	[sflag:s9] =	ssyncset.done $0x0  }
0x45: {  	[sflag:s9] =	ssyncadd.s32 $0xFFFFFF80  }
0x46: {  	[spmem:s2] =	stream.indirect.scatter.add.f32 [tilespmem:s10], [sflag:$0x1], $0x1, s3, s10, $0xb8;
	[tilespmem:$0x600] =	vst v63  }
0x47: {  	_ =	swait.ge [sflag:s9], $0x80  }
0x48: {  	s15 =	simm.s32 $0x20;
	s14 =	simm.s32 $0x10;
	[sflag:s9] =	ssyncset.done $0x0  }
.LBB2_2:
0x49: {  	s16 =	sadd.s32 s14, s7  }
0x4a: {  	[sflag:s9] =	ssyncadd.s32 $0xFFFFFF80;
	s14 =	smov.u32 s15;
	s17 =	sadd.s32 $0x10, s15  }
0x4b: {  	[tilespmem:s3], [sflag:$0x1] =	stream.linear.gather [hbm4b:s16+s3], $0x80, $0x38;
	[tilespmem:$0x600] =	vst v63  }
0x4c: {  	p0 =	sne.s32 s15, $0x4E0;
	_ =	swait.ge [sflag:s9], $0x80  }
.Ltmp0:
0x4d: {  	[sflag:s9] =	ssyncset.done $0x0;
	(pc) =	sbr.rel @p0 .LBB2_2-.Ltmp0, $4  }
0x4e: {  	[sflag:s9] =	ssyncadd.s32 $0xFFFFFF80  }
0x4f: {  	[spmem:s2] =	stream.indirect.scatter.add.f32 [tilespmem:s10], [sflag:$0x1], $0x1, s3, s10, $0xb8;
	[tilespmem:$0x600] =	vst v63  }
0x50: {  	_ =	swait.ge [sflag:s9], $0x80  }
0x51: {  	s15 =	smov.u32 s17;
	[sflag:s9] =	ssyncset.done $0x0  }
0x52: {  	s14 =	sadd.s32 s14, s7;
	[sflag:s9] =	ssyncadd.s32 $0xFFFFFF80  }
0x53: {  	[tilespmem:s3], [sflag:$0x1] =	stream.linear.gather [hbm4b:s14+s3], $0x80, $0x38;
	[tilespmem:$0x600] =	vst v63  }
0x54: {  	_ =	swait.ge [sflag:s9], $0x80  }
0x55: {  	[sflag:s9] =	ssyncset.done $0x0  }
0x56: {  	[sflag:s9] =	ssyncadd.s32 $0xFFFFFF80  }
0x57: {  	[spmem:s2] =	stream.indirect.scatter.add.f32 [tilespmem:s10], [sflag:$0x1], $0x1, s3, s10, $0xb8;
	[tilespmem:$0x600] =	vst v63  }
0x58: {  	_ =	swait.ge [sflag:s9], $0x80  }
0x59: {  	s13 =	sadd.s32 $0x1, s13;
	[sflag:s9] =	ssyncset.done $0x0  }
0x5a: {  	p0 =	sne.s32 s13, s6;
	[sflag:s9] =	ssyncadd.s32 $0xFFFFFF80  }
.Ltmp1:
0x5b: {  	[bflag:$0x0] =	sbarrier.arrive $0xFFFF;
	(pc) =	sbr.rel @p0 .LBB2_1-.Ltmp1, $4  }
0x5c: {  	[hbm:s5], [sflag:s11] =	dma.local [spmem:s12], $0x50  }
0x5d: {  	_ =	swait.ge [sflag:s9], $0x50  }
0x5e: {  	[sflag:s9] =	ssyncset.done $0x0  }
0x5f: {  	[sflag:s9] =	ssyncadd.s32 $0xFFFFFFB0  }
0x60: {  	_ =	sfence.sel $0x180000  }
0x61: {  	[bflag:$0x0] =	sbarrier.arrive $0xFFFF  }
0x62: {  	p0 =	sne.s32 s1, $0x0;
	_ =	strace $0x90000047  }
0x63: {  	s0 =	sadd.s32 @!p0 $0x100000, s0;
	[bflag:$0x2] =	sbarrier.arrive $0xFFFF  }
0x64: {  	[sflag:s0] =	ssyncadd.tile.s32 @!p0 $0x1;
	_ =	shalt  }
.Lfunc_end2:
_tile_overlayer_lowered:
.L_overlay_start_2:
0x65: {  	(tag) =	ssettag $0x2  }
0x66: {  	s0 =	rddreg [dreg:$0x0];
	s2 =	stileid.u32  }
0x67: {  	s1 =	rddreg [dreg:$0x1];
	p0 =	sne.s32 s2, $0x0  }
0x68: {  	s3 =	rddreg [dreg:$0x2];
	[bflag:$0x3] =	sbarrier.arrive $0xFFFF;
	s2 =	simm.s32 @!p0 $0x1C01  }
0x69: {  	[timem:s3], [sflag:s2] =	dma.local @!p0 [hbm:s0], s1  }
0x6a: {  	s0 =	simm.s32 @!p0 $0x1  }
0x6b: {  	_ =	swait.ge @!p0 [sflag:s0], s1  }
0x6c: {  	s1 =	ssub.s32 @!p0 $0x0, s1;
	[sflag:s0] =	ssyncset.done @!p0 $0x0  }
0x6d: {  	[sflag:s0] =	ssyncadd.s32 @!p0 s1  }
0x6e: {  	[bflag:$0x3] =	sbarrier.arrive $0xFFFF  }
0x6f: {  	_ =	shalt  }

</sc_bundles>
